<compile_context>
chip_gen: v7x
topology: tpu7x:2x2x1
jax: 0.10.2.dev20260603
libtpu: 0.0.44.dev20260713+nightly
codegen_flags: <defaults>
</compile_context>

<pallas_src>
import functools

import jax
import jax.numpy as jnp
from jax import lax
from jax.experimental import pallas as pl
from jax.experimental.pallas import tpu as pltpu
from jax.experimental.pallas import tpu_sc as plsc

NUM_NODES = 100000
D = 128
B = 16384

_info = plsc.get_sparse_core_info()
_NC, _NS = _info.num_cores, _info.num_subcores
NW = _NC * _NS
B_PER_W = B // NW
_CH = B_PER_W // 2


def _sc_gather(emb, memory, src, dst):
    mesh = plsc.VectorSubcoreMesh(core_axis_name="c", subcore_axis_name="s")

    @functools.partial(
        pl.kernel,
        mesh=mesh,
        out_type=jax.ShapeDtypeStruct((4, B, D), jnp.float32),
        scratch_types=[
            pltpu.VMEM((B_PER_W,), jnp.int32),
            pltpu.VMEM((B_PER_W,), jnp.int32),
            pltpu.VMEM((_CH, D), jnp.float32),
            pltpu.VMEM((_CH, D), jnp.float32),
            pltpu.SemaphoreType.DMA,
            pltpu.SemaphoreType.DMA,
            pltpu.SemaphoreType.DMA,
            pltpu.SemaphoreType.DMA,
        ],
    )
    def gather_kernel(emb_hbm, mem_hbm, src_hbm, dst_hbm, out_hbm,
                      src_v, dst_v, rows0, rows1, g0, g1, w0, w1):
        wid = lax.axis_index("s") * _NC + lax.axis_index("c")
        base = wid * B_PER_W
        pltpu.sync_copy(src_hbm.at[pl.ds(base, B_PER_W)], src_v)
        pltpu.sync_copy(dst_hbm.at[pl.ds(base, B_PER_W)], dst_v)
        rows = (rows0, rows1)
        gsem = (g0, g1)
        wsem = (w0, w1)
        chunks = []
        for p, (tab, idxv) in enumerate(
                ((emb_hbm, src_v), (emb_hbm, dst_v), (mem_hbm, src_v), (mem_hbm, dst_v))):
            for h in range(2):
                chunks.append((tab, idxv, p, h))
        n = len(chunks)

        def start_gather(k):
            tab, idxv, _, h = chunks[k]
            return pltpu.async_copy(tab.at[idxv.at[pl.ds(h * _CH, _CH)]],
                                    rows[k % 2], gsem[k % 2])

        def start_write(k):
            _, _, p, h = chunks[k]
            return pltpu.async_copy(rows[k % 2],
                                    out_hbm.at[p, pl.ds(base + h * _CH, _CH)],
                                    wsem[k % 2])

        hg = [None] * n
        hw = [None] * n
        hg[0] = start_gather(0)
        for k in range(n):
            hg[k].wait()
            if k + 1 < n:
                if k >= 1:
                    hw[k - 1].wait()
                hg[k + 1] = start_gather(k + 1)
            hw[k] = start_write(k)
        hw[n - 2].wait()
        hw[n - 1].wait()

    return gather_kernel(emb, memory, src, dst)


_BM = 2048


def _mlp_body(g_ref, w1_ref, b1_ref, w2_ref, b2_ref, out_ref):
    acc = jnp.dot(g_ref[0].astype(jnp.bfloat16), w1_ref[0].astype(jnp.bfloat16),
                  preferred_element_type=jnp.float32)
    for p in range(1, 4):
        acc += jnp.dot(g_ref[p].astype(jnp.bfloat16), w1_ref[p].astype(jnp.bfloat16),
                       preferred_element_type=jnp.float32)
    h1 = jnp.maximum(acc + b1_ref[0][None, :], 0.0)
    out_ref[...] = jnp.sum(h1 * w2_ref[0][None, :], axis=1) + b2_ref[0]


def _tc_mlp(g4, w1r, b1, w2, b2):
    grid = (B // _BM,)
    return pl.pallas_call(
        _mlp_body,
        grid=grid,
        in_specs=[
            pl.BlockSpec((4, _BM, D), lambda i: (0, i, 0)),
            pl.BlockSpec((4, D, D), lambda i: (0, 0, 0)),
            pl.BlockSpec((1, D), lambda i: (0, 0)),
            pl.BlockSpec((1, D), lambda i: (0, 0)),
            pl.BlockSpec((1,), lambda i: (0,)),
        ],
        out_specs=pl.BlockSpec((_BM,), lambda i: (i,)),
        out_shape=jax.ShapeDtypeStruct((B,), jnp.float32),
    )(g4, w1r, b1, w2, b2)


def kernel(src, dst, ts, edge_feat, emb, memory, time_w, time_b, edge_W, edge_b, W1, b1, W2, b2):
    w1r = W1.reshape(D, 4, D).transpose(1, 2, 0)
    g4 = _sc_gather(emb, memory, src, dst)
    return _tc_mlp(g4, w1r, b1.reshape(1, D), W2.reshape(1, D), b2)

# --- scband reference (transcript-rebuilt; emitter-appended) ---
"""Pipeline reference for scband-tgn-84078279786708 (READ-ONLY COPY).

The authoritative reference and input builder live on the scoring server;
editing this copy changes nothing except your own understanding.
"""

import jax, jax.numpy as jnp
import numpy as np

NUM_NODES = 100000
NODE_DIM = 128
EDGE_DIM = 16
TIME_DIM = 16
MEMORY_DIM = 128
HIDDEN_DIM = 128
B = 16384


def setup_inputs(seed: int = 0) -> dict:
    key = jax.random.key(seed)
    ks = jax.random.split(key, 12)
    src = jax.random.randint(ks[0], (B,), 0, NUM_NODES, dtype=jnp.int32)
    dst = jax.random.randint(ks[1], (B,), 0, NUM_NODES, dtype=jnp.int32)
    ts = jax.random.uniform(ks[2], (B,), dtype=jnp.float32)
    edge_feat = jax.random.normal(ks[3], (B, EDGE_DIM), dtype=jnp.float32)
    # learned parameters
    emb = jax.random.normal(ks[4], (NUM_NODES, NODE_DIM), dtype=jnp.float32) * 0.02
    memory = jax.random.normal(ks[5], (NUM_NODES, MEMORY_DIM), dtype=jnp.float32) * 0.05
    # TimeEncoder fixed init: w.weight = 1/10**linspace(0,9,time_dim), bias zeros
    time_w = jnp.asarray((1.0 / 10 ** np.linspace(0, 9, TIME_DIM)).reshape(TIME_DIM, 1), dtype=jnp.float32)
    time_b = jnp.zeros((TIME_DIM,), dtype=jnp.float32)
    edge_W = jax.random.normal(ks[6], (HIDDEN_DIM, EDGE_DIM), dtype=jnp.float32) * 0.1
    edge_b = jnp.zeros((HIDDEN_DIM,), dtype=jnp.float32)
    in_dim = NODE_DIM * 2 + MEMORY_DIM * 2
    W1 = jax.random.normal(ks[7], (HIDDEN_DIM, in_dim), dtype=jnp.float32) * (1.0 / np.sqrt(in_dim))
    b1 = jnp.zeros((HIDDEN_DIM,), dtype=jnp.float32)
    W2 = jax.random.normal(ks[8], (1, HIDDEN_DIM), dtype=jnp.float32) * (1.0 / np.sqrt(HIDDEN_DIM))
    b2 = jnp.zeros((1,), dtype=jnp.float32)
    return {
        "src": src, "dst": dst, "ts": ts, "edge_feat": edge_feat,
        "emb": emb, "memory": memory,
        "time_w": time_w, "time_b": time_b,
        "edge_W": edge_W, "edge_b": edge_b,
        "W1": W1, "b1": b1, "W2": W2, "b2": b2,
    }


def reference(src, dst, ts, edge_feat, emb, memory, time_w, time_b, edge_W, edge_b, W1, b1, W2, b2):
    # gathers from large tables (SparseCore-mappable)
    src_embed = jnp.take(emb, src, axis=0)
    dst_embed = jnp.take(emb, dst, axis=0)
    src_memory = jnp.take(memory, src, axis=0)
    dst_memory = jnp.take(memory, dst, axis=0)
    # time encoding: cos(Linear(t)) -- computed in the torch forward (unused in output)
    t = ts[:, None]
    time_embed = jnp.cos(t @ time_w.T + time_b)
    # edge encoding -- computed in the torch forward (unused in output)
    edge_embed = edge_feat @ edge_W.T + edge_b
    _ = (time_embed, edge_embed)
    h = jnp.concatenate([src_embed, dst_embed, src_memory, dst_memory], axis=1)
    h1 = jax.nn.relu(h @ W1.T + b1)
    # dropout in eval mode -> identity
    out = h1 @ W2.T + b2
    return jnp.squeeze(out, axis=-1)

if __name__ == "__main__":
    import jax
    _d = setup_inputs()
    print(jax.jit(kernel)(*tuple(_d.values())))

</pallas_src>

<mosaic_0001>
#map = affine_map<(d0, d1) -> (0, 0)>
#map1 = affine_map<(d0, d1) -> (0)>
#map2 = affine_map<(d0, d1) -> (0, 0, 0)>
module attributes {stable_mosaic.version = 14 : i64} {
  func.func @gather_kernel(%arg0: i32, %arg1: i32, %arg2: memref<100000x128xf32, #tpu.memory_space<hbm>>, %arg3: memref<100000x128xf32, #tpu.memory_space<hbm>>, %arg4: memref<16384xi32, #tpu.memory_space<hbm>>, %arg5: memref<16384xi32, #tpu.memory_space<hbm>>, %arg6: memref<4x16384x128xf32, #tpu.memory_space<hbm>>, %arg7: memref<512xi32, #tpu.memory_space<vmem>>, %arg8: memref<512xi32, #tpu.memory_space<vmem>>, %arg9: memref<256x128xf32, #tpu.memory_space<vmem>>, %arg10: memref<256x128xf32, #tpu.memory_space<vmem>>, %arg11: memref<!tpu.dma_semaphore, #tpu.memory_space<semaphore_mem>>, %arg12: memref<!tpu.dma_semaphore, #tpu.memory_space<semaphore_mem>>, %arg13: memref<!tpu.dma_semaphore, #tpu.memory_space<semaphore_mem>>, %arg14: memref<!tpu.dma_semaphore, #tpu.memory_space<semaphore_mem>>) attributes {dimension_semantics = [#tpu.dimension_semantics<core_parallel>, #tpu.dimension_semantics<subcore_parallel>], iteration_bounds = array<i64: 2, 16>, scalar_prefetch = 0 : i64, scratch_operands = 8 : i64, tpu.core_type = #tpu.core_type<sc_vector_subcore>, window_params = [{transform_indices = #map}, {transform_indices = #map}, {transform_indices = #map1}, {transform_indices = #map1}, {transform_indices = #map2}]} {
    %mul3A = arith.constant 2 : i32
    %mul3A_0 = arith.muli %arg1, %mul3A : i32
    %add3A = arith.addi %mul3A_0, %arg0 : i32
    %mul3A_1 = arith.constant 512 : i32
    %mul3A_2 = arith.muli %add3A, %mul3A_1 : i32
    "tpu.region"() ({
      %run_scoped3A = tpu.sem_alloc : memref<!tpu.dma_semaphore, #tpu.memory_space<semaphore_mem>>
      %dma_start3A_209 = tpu.memref_slice %arg4[%mul3A_2] : memref<16384xi32, #tpu.memory_space<hbm>> -> memref<512xi32, #tpu.memory_space<hbm>>
      %dma_start3A_210 = tpu.memref_slice %arg4[%mul3A_2] : memref<16384xi32, #tpu.memory_space<hbm>> -> memref<512xi32, #tpu.memory_space<hbm>>
      tpu.enqueue_dma source(%dma_start3A_210 : memref<512xi32, #tpu.memory_space<hbm>>) target(%arg7 : memref<512xi32, #tpu.memory_space<vmem>>) target_semaphore(%run_scoped3A : memref<!tpu.dma_semaphore, #tpu.memory_space<semaphore_mem>>)
      %dma_wait3A_211 = tpu.memref_slice %arg4[%mul3A_2] : memref<16384xi32, #tpu.memory_space<hbm>> -> memref<512xi32, #tpu.memory_space<hbm>>
      %dma_wait3A_212 = tpu.memref_slice %arg4[%mul3A_2] : memref<16384xi32, #tpu.memory_space<hbm>> -> memref<512xi32, #tpu.memory_space<hbm>>
      tpu.wait_dma2 semaphore(%run_scoped3A : memref<!tpu.dma_semaphore, #tpu.memory_space<semaphore_mem>>) src(%dma_wait3A_212 : memref<512xi32, #tpu.memory_space<hbm>>) dst(%arg7 : memref<512xi32, #tpu.memory_space<vmem>>)
      tpu.yield
    }) : () -> ()
    "tpu.region"() ({
      %run_scoped3A = tpu.sem_alloc : memref<!tpu.dma_semaphore, #tpu.memory_space<semaphore_mem>>
      %dma_start3A_209 = tpu.memref_slice %arg5[%mul3A_2] : memref<16384xi32, #tpu.memory_space<hbm>> -> memref<512xi32, #tpu.memory_space<hbm>>
      %dma_start3A_210 = tpu.memref_slice %arg5[%mul3A_2] : memref<16384xi32, #tpu.memory_space<hbm>> -> memref<512xi32, #tpu.memory_space<hbm>>
      tpu.enqueue_dma source(%dma_start3A_210 : memref<512xi32, #tpu.memory_space<hbm>>) target(%arg8 : memref<512xi32, #tpu.memory_space<vmem>>) target_semaphore(%run_scoped3A : memref<!tpu.dma_semaphore, #tpu.memory_space<semaphore_mem>>)
      %dma_wait3A_211 = tpu.memref_slice %arg5[%mul3A_2] : memref<16384xi32, #tpu.memory_space<hbm>> -> memref<512xi32, #tpu.memory_space<hbm>>
      %dma_wait3A_212 = tpu.memref_slice %arg5[%mul3A_2] : memref<16384xi32, #tpu.memory_space<hbm>> -> memref<512xi32, #tpu.memory_space<hbm>>
      tpu.wait_dma2 semaphore(%run_scoped3A : memref<!tpu.dma_semaphore, #tpu.memory_space<semaphore_mem>>) src(%dma_wait3A_212 : memref<512xi32, #tpu.memory_space<hbm>>) dst(%arg8 : memref<512xi32, #tpu.memory_space<vmem>>)
      tpu.yield
    }) : () -> ()
    %dma_start3A = arith.constant 0 : i32
    %dma_start3A_3 = tpu.memref_slice %arg7[%dma_start3A] : memref<512xi32, #tpu.memory_space<vmem>> -> memref<256xi32, #tpu.memory_space<vmem>>
    %dma_start3A_4 = arith.constant 0 : i32
    %dma_start3A_5 = arith.constant 0 : i32
    %dma_start3A_6 = tpu.memref_slice %arg2[%dma_start3A_4, %dma_start3A_5] : memref<100000x128xf32, #tpu.memory_space<hbm>> -> memref<100000x128xf32, #tpu.memory_space<hbm>>
    tpu.enqueue_indirect_dma source(%dma_start3A_6 : memref<100000x128xf32, #tpu.memory_space<hbm>>) target(%arg9 : memref<256x128xf32, #tpu.memory_space<vmem>>) offsets(%dma_start3A_3 : memref<256xi32, #tpu.memory_space<vmem>>) semaphore(%arg11 : memref<!tpu.dma_semaphore, #tpu.memory_space<semaphore_mem>>)
    %dma_wait3A = arith.constant 0 : i32
    %dma_wait3A_7 = tpu.memref_slice %arg7[%dma_wait3A] : memref<512xi32, #tpu.memory_space<vmem>> -> memref<256xi32, #tpu.memory_space<vmem>>
    %dma_wait3A_8 = arith.constant 0 : i32
    %dma_wait3A_9 = arith.constant 0 : i32
    %dma_wait3A_10 = tpu.memref_slice %arg2[%dma_wait3A_8, %dma_wait3A_9] : memref<100000x128xf32, #tpu.memory_space<hbm>> -> memref<100000x128xf32, #tpu.memory_space<hbm>>
    tpu.wait_indirect_dma semaphore(%arg11 : memref<!tpu.dma_semaphore, #tpu.memory_space<semaphore_mem>>) src(%dma_wait3A_10 : memref<100000x128xf32, #tpu.memory_space<hbm>>) dst(%arg9 : memref<256x128xf32, #tpu.memory_space<vmem>>)
    %dma_start3A_11 = arith.constant 256 : i32
    %dma_start3A_12 = tpu.memref_slice %arg7[%dma_start3A_11] : memref<512xi32, #tpu.memory_space<vmem>> -> memref<256xi32, #tpu.memory_space<vmem>>
    %dma_start3A_13 = arith.constant 0 : i32
    %dma_start3A_14 = arith.constant 0 : i32
    %dma_start3A_15 = tpu.memref_slice %arg2[%dma_start3A_13, %dma_start3A_14] : memref<100000x128xf32, #tpu.memory_space<hbm>> -> memref<100000x128xf32, #tpu.memory_space<hbm>>
    tpu.enqueue_indirect_dma source(%dma_start3A_15 : memref<100000x128xf32, #tpu.memory_space<hbm>>) target(%arg10 : memref<256x128xf32, #tpu.memory_space<vmem>>) offsets(%dma_start3A_12 : memref<256xi32, #tpu.memory_space<vmem>>) semaphore(%arg12 : memref<!tpu.dma_semaphore, #tpu.memory_space<semaphore_mem>>)
    %add3A_16 = arith.constant 0 : i32
    %add3A_17 = arith.addi %mul3A_2, %add3A_16 : i32
    %dma_start3A_18 = arith.constant 0 : i32
    %dma_start3A_19 = arith.constant 0 : i32
    %dma_start3A_20 = tpu.memref_slice %arg6[%dma_start3A_18, %add3A_17, %dma_start3A_19] : memref<4x16384x128xf32, #tpu.memory_space<hbm>> -> memref<1x256x128xf32, #tpu.memory_space<hbm>>
    %dma_start3A_21 = tpu.memref_squeeze %dma_start3A_20 : memref<1x256x128xf32, #tpu.memory_space<hbm>> -> memref<256x128xf32, #tpu.memory_space<hbm>>
    %dma_start3A_22 = arith.constant 0 : i32
    %dma_start3A_23 = tpu.memref_slice %arg6[%dma_start3A_18, %add3A_17, %dma_start3A_22] : memref<4x16384x128xf32, #tpu.memory_space<hbm>> -> memref<1x256x128xf32, #tpu.memory_space<hbm>>
    %dma_start3A_24 = tpu.memref_squeeze %dma_start3A_23 : memref<1x256x128xf32, #tpu.memory_space<hbm>> -> memref<256x128xf32, #tpu.memory_space<hbm>>
    tpu.enqueue_dma source(%arg9 : memref<256x128xf32, #tpu.memory_space<vmem>>) target(%dma_start3A_24 : memref<256x128xf32, #tpu.memory_space<hbm>>) target_semaphore(%arg13 : memref<!tpu.dma_semaphore, #tpu.memory_space<semaphore_mem>>)
    %dma_wait3A_25 = arith.constant 256 : i32
    %dma_wait3A_26 = tpu.memref_slice %arg7[%dma_wait3A_25] : memref<512xi32, #tpu.memory_space<vmem>> -> memref<256xi32, #tpu.memory_space<vmem>>
    %dma_wait3A_27 = arith.constant 0 : i32
    %dma_wait3A_28 = arith.constant 0 : i32
    %dma_wait3A_29 = tpu.memref_slice %arg2[%dma_wait3A_27, %dma_wait3A_28] : memref<100000x128xf32, #tpu.memory_space<hbm>> -> memref<100000x128xf32, #tpu.memory_space<hbm>>
    tpu.wait_indirect_dma semaphore(%arg12 : memref<!tpu.dma_semaphore, #tpu.memory_space<semaphore_mem>>) src(%dma_wait3A_29 : memref<100000x128xf32, #tpu.memory_space<hbm>>) dst(%arg10 : memref<256x128xf32, #tpu.memory_space<vmem>>)
    %dma_wait3A_30 = arith.constant 0 : i32
    %dma_wait3A_31 = arith.constant 0 : i32
    %dma_wait3A_32 = tpu.memref_slice %arg6[%dma_wait3A_30, %add3A_17, %dma_wait3A_31] : memref<4x16384x128xf32, #tpu.memory_space<hbm>> -> memref<1x256x128xf32, #tpu.memory_space<hbm>>
    %dma_wait3A_33 = tpu.memref_squeeze %dma_wait3A_32 : memref<1x256x128xf32, #tpu.memory_space<hbm>> -> memref<256x128xf32, #tpu.memory_space<hbm>>
    %dma_wait3A_34 = arith.constant 0 : i32
    %dma_wait3A_35 = tpu.memref_slice %arg6[%dma_wait3A_30, %add3A_17, %dma_wait3A_34] : memref<4x16384x128xf32, #tpu.memory_space<hbm>> -> memref<1x256x128xf32, #tpu.memory_space<hbm>>
    %dma_wait3A_36 = tpu.memref_squeeze %dma_wait3A_35 : memref<1x256x128xf32, #tpu.memory_space<hbm>> -> memref<256x128xf32, #tpu.memory_space<hbm>>
    tpu.wait_dma2 semaphore(%arg13 : memref<!tpu.dma_semaphore, #tpu.memory_space<semaphore_mem>>) src(%arg9 : memref<256x128xf32, #tpu.memory_space<vmem>>) dst(%dma_wait3A_36 : memref<256x128xf32, #tpu.memory_space<hbm>>)
    %dma_start3A_37 = arith.constant 0 : i32
    %dma_start3A_38 = tpu.memref_slice %arg8[%dma_start3A_37] : memref<512xi32, #tpu.memory_space<vmem>> -> memref<256xi32, #tpu.memory_space<vmem>>
    %dma_start3A_39 = arith.constant 0 : i32
    %dma_start3A_40 = arith.constant 0 : i32
    %dma_start3A_41 = tpu.memref_slice %arg2[%dma_start3A_39, %dma_start3A_40] : memref<100000x128xf32, #tpu.memory_space<hbm>> -> memref<100000x128xf32, #tpu.memory_space<hbm>>
    tpu.enqueue_indirect_dma source(%dma_start3A_41 : memref<100000x128xf32, #tpu.memory_space<hbm>>) target(%arg9 : memref<256x128xf32, #tpu.memory_space<vmem>>) offsets(%dma_start3A_38 : memref<256xi32, #tpu.memory_space<vmem>>) semaphore(%arg11 : memref<!tpu.dma_semaphore, #tpu.memory_space<semaphore_mem>>)
    %add3A_42 = arith.constant 256 : i32
    %add3A_43 = arith.addi %mul3A_2, %add3A_42 : i32
    %dma_start3A_44 = arith.constant 0 : i32
    %dma_start3A_45 = arith.constant 0 : i32
    %dma_start3A_46 = tpu.memref_slice %arg6[%dma_start3A_44, %add3A_43, %dma_start3A_45] : memref<4x16384x128xf32, #tpu.memory_space<hbm>> -> memref<1x256x128xf32, #tpu.memory_space<hbm>>
    %dma_start3A_47 = tpu.memref_squeeze %dma_start3A_46 : memref<1x256x128xf32, #tpu.memory_space<hbm>> -> memref<256x128xf32, #tpu.memory_space<hbm>>
    %dma_start3A_48 = arith.constant 0 : i32
    %dma_start3A_49 = tpu.memref_slice %arg6[%dma_start3A_44, %add3A_43, %dma_start3A_48] : memref<4x16384x128xf32, #tpu.memory_space<hbm>> -> memref<1x256x128xf32, #tpu.memory_space<hbm>>
    %dma_start3A_50 = tpu.memref_squeeze %dma_start3A_49 : memref<1x256x128xf32, #tpu.memory_space<hbm>> -> memref<256x128xf32, #tpu.memory_space<hbm>>
    tpu.enqueue_dma source(%arg10 : memref<256x128xf32, #tpu.memory_space<vmem>>) target(%dma_start3A_50 : memref<256x128xf32, #tpu.memory_space<hbm>>) target_semaphore(%arg14 : memref<!tpu.dma_semaphore, #tpu.memory_space<semaphore_mem>>)
    %dma_wait3A_51 = arith.constant 0 : i32
    %dma_wait3A_52 = tpu.memref_slice %arg8[%dma_wait3A_51] : memref<512xi32, #tpu.memory_space<vmem>> -> memref<256xi32, #tpu.memory_space<vmem>>
    %dma_wait3A_53 = arith.constant 0 : i32
    %dma_wait3A_54 = arith.constant 0 : i32
    %dma_wait3A_55 = tpu.memref_slice %arg2[%dma_wait3A_53, %dma_wait3A_54] : memref<100000x128xf32, #tpu.memory_space<hbm>> -> memref<100000x128xf32, #tpu.memory_space<hbm>>
    tpu.wait_indirect_dma semaphore(%arg11 : memref<!tpu.dma_semaphore, #tpu.memory_space<semaphore_mem>>) src(%dma_wait3A_55 : memref<100000x128xf32, #tpu.memory_space<hbm>>) dst(%arg9 : memref<256x128xf32, #tpu.memory_space<vmem>>)
    %dma_wait3A_56 = arith.constant 0 : i32
    %dma_wait3A_57 = arith.constant 0 : i32
    %dma_wait3A_58 = tpu.memref_slice %arg6[%dma_wait3A_56, %add3A_43, %dma_wait3A_57] : memref<4x16384x128xf32, #tpu.memory_space<hbm>> -> memref<1x256x128xf32, #tpu.memory_space<hbm>>
    %dma_wait3A_59 = tpu.memref_squeeze %dma_wait3A_58 : memref<1x256x128xf32, #tpu.memory_space<hbm>> -> memref<256x128xf32, #tpu.memory_space<hbm>>
    %dma_wait3A_60 = arith.constant 0 : i32
    %dma_wait3A_61 = tpu.memref_slice %arg6[%dma_wait3A_56, %add3A_43, %dma_wait3A_60] : memref<4x16384x128xf32, #tpu.memory_space<hbm>> -> memref<1x256x128xf32, #tpu.memory_space<hbm>>
    %dma_wait3A_62 = tpu.memref_squeeze %dma_wait3A_61 : memref<1x256x128xf32, #tpu.memory_space<hbm>> -> memref<256x128xf32, #tpu.memory_space<hbm>>
    tpu.wait_dma2 semaphore(%arg14 : memref<!tpu.dma_semaphore, #tpu.memory_space<semaphore_mem>>) src(%arg10 : memref<256x128xf32, #tpu.memory_space<vmem>>) dst(%dma_wait3A_62 : memref<256x128xf32, #tpu.memory_space<hbm>>)
    %dma_start3A_63 = arith.constant 256 : i32
    %dma_start3A_64 = tpu.memref_slice %arg8[%dma_start3A_63] : memref<512xi32, #tpu.memory_space<vmem>> -> memref<256xi32, #tpu.memory_space<vmem>>
    %dma_start3A_65 = arith.constant 0 : i32
    %dma_start3A_66 = arith.constant 0 : i32
    %dma_start3A_67 = tpu.memref_slice %arg2[%dma_start3A_65, %dma_start3A_66] : memref<100000x128xf32, #tpu.memory_space<hbm>> -> memref<100000x128xf32, #tpu.memory_space<hbm>>
    tpu.enqueue_indirect_dma source(%dma_start3A_67 : memref<100000x128xf32, #tpu.memory_space<hbm>>) target(%arg10 : memref<256x128xf32, #tpu.memory_space<vmem>>) offsets(%dma_start3A_64 : memref<256xi32, #tpu.memory_space<vmem>>) semaphore(%arg12 : memref<!tpu.dma_semaphore, #tpu.memory_space<semaphore_mem>>)
    %add3A_68 = arith.constant 0 : i32
    %add3A_69 = arith.addi %mul3A_2, %add3A_68 : i32
    %dma_start3A_70 = arith.constant 1 : i32
    %dma_start3A_71 = arith.constant 0 : i32
    %dma_start3A_72 = tpu.memref_slice %arg6[%dma_start3A_70, %add3A_69, %dma_start3A_71] : memref<4x16384x128xf32, #tpu.memory_space<hbm>> -> memref<1x256x128xf32, #tpu.memory_space<hbm>>
    %dma_start3A_73 = tpu.memref_squeeze %dma_start3A_72 : memref<1x256x128xf32, #tpu.memory_space<hbm>> -> memref<256x128xf32, #tpu.memory_space<hbm>>
    %dma_start3A_74 = arith.constant 0 : i32
    %dma_start3A_75 = tpu.memref_slice %arg6[%dma_start3A_70, %add3A_69, %dma_start3A_74] : memref<4x16384x128xf32, #tpu.memory_space<hbm>> -> memref<1x256x128xf32, #tpu.memory_space<hbm>>
    %dma_start3A_76 = tpu.memref_squeeze %dma_start3A_75 : memref<1x256x128xf32, #tpu.memory_space<hbm>> -> memref<256x128xf32, #tpu.memory_space<hbm>>
    tpu.enqueue_dma source(%arg9 : memref<256x128xf32, #tpu.memory_space<vmem>>) target(%dma_start3A_76 : memref<256x128xf32, #tpu.memory_space<hbm>>) target_semaphore(%arg13 : memref<!tpu.dma_semaphore, #tpu.memory_space<semaphore_mem>>)
    %dma_wait3A_77 = arith.constant 256 : i32
    %dma_wait3A_78 = tpu.memref_slice %arg8[%dma_wait3A_77] : memref<512xi32, #tpu.memory_space<vmem>> -> memref<256xi32, #tpu.memory_space<vmem>>
    %dma_wait3A_79 = arith.constant 0 : i32
    %dma_wait3A_80 = arith.constant 0 : i32
    %dma_wait3A_81 = tpu.memref_slice %arg2[%dma_wait3A_79, %dma_wait3A_80] : memref<100000x128xf32, #tpu.memory_space<hbm>> -> memref<100000x128xf32, #tpu.memory_space<hbm>>
    tpu.wait_indirect_dma semaphore(%arg12 : memref<!tpu.dma_semaphore, #tpu.memory_space<semaphore_mem>>) src(%dma_wait3A_81 : memref<100000x128xf32, #tpu.memory_space<hbm>>) dst(%arg10 : memref<256x128xf32, #tpu.memory_space<vmem>>)
    %dma_wait3A_82 = arith.constant 1 : i32
    %dma_wait3A_83 = arith.constant 0 : i32
    %dma_wait3A_84 = tpu.memref_slice %arg6[%dma_wait3A_82, %add3A_69, %dma_wait3A_83] : memref<4x16384x128xf32, #tpu.memory_space<hbm>> -> memref<1x256x128xf32, #tpu.memory_space<hbm>>
    %dma_wait3A_85 = tpu.memref_squeeze %dma_wait3A_84 : memref<1x256x128xf32, #tpu.memory_space<hbm>> -> memref<256x128xf32, #tpu.memory_space<hbm>>
    %dma_wait3A_86 = arith.constant 0 : i32
    %dma_wait3A_87 = tpu.memref_slice %arg6[%dma_wait3A_82, %add3A_69, %dma_wait3A_86] : memref<4x16384x128xf32, #tpu.memory_space<hbm>> -> memref<1x256x128xf32, #tpu.memory_space<hbm>>
    %dma_wait3A_88 = tpu.memref_squeeze %dma_wait3A_87 : memref<1x256x128xf32, #tpu.memory_space<hbm>> -> memref<256x128xf32, #tpu.memory_space<hbm>>
    tpu.wait_dma2 semaphore(%arg13 : memref<!tpu.dma_semaphore, #tpu.memory_space<semaphore_mem>>) src(%arg9 : memref<256x128xf32, #tpu.memory_space<vmem>>) dst(%dma_wait3A_88 : memref<256x128xf32, #tpu.memory_space<hbm>>)
    %dma_start3A_89 = arith.constant 0 : i32
    %dma_start3A_90 = tpu.memref_slice %arg7[%dma_start3A_89] : memref<512xi32, #tpu.memory_space<vmem>> -> memref<256xi32, #tpu.memory_space<vmem>>
    %dma_start3A_91 = arith.constant 0 : i32
    %dma_start3A_92 = arith.constant 0 : i32
    %dma_start3A_93 = tpu.memref_slice %arg3[%dma_start3A_91, %dma_start3A_92] : memref<100000x128xf32, #tpu.memory_space<hbm>> -> memref<100000x128xf32, #tpu.memory_space<hbm>>
    tpu.enqueue_indirect_dma source(%dma_start3A_93 : memref<100000x128xf32, #tpu.memory_space<hbm>>) target(%arg9 : memref<256x128xf32, #tpu.memory_space<vmem>>) offsets(%dma_start3A_90 : memref<256xi32, #tpu.memory_space<vmem>>) semaphore(%arg11 : memref<!tpu.dma_semaphore, #tpu.memory_space<semaphore_mem>>)
    %add3A_94 = arith.constant 256 : i32
    %add3A_95 = arith.addi %mul3A_2, %add3A_94 : i32
    %dma_start3A_96 = arith.constant 1 : i32
    %dma_start3A_97 = arith.constant 0 : i32
    %dma_start3A_98 = tpu.memref_slice %arg6[%dma_start3A_96, %add3A_95, %dma_start3A_97] : memref<4x16384x128xf32, #tpu.memory_space<hbm>> -> memref<1x256x128xf32, #tpu.memory_space<hbm>>
    %dma_start3A_99 = tpu.memref_squeeze %dma_start3A_98 : memref<1x256x128xf32, #tpu.memory_space<hbm>> -> memref<256x128xf32, #tpu.memory_space<hbm>>
    %dma_start3A_100 = arith.constant 0 : i32
    %dma_start3A_101 = tpu.memref_slice %arg6[%dma_start3A_96, %add3A_95, %dma_start3A_100] : memref<4x16384x128xf32, #tpu.memory_space<hbm>> -> memref<1x256x128xf32, #tpu.memory_space<hbm>>
    %dma_start3A_102 = tpu.memref_squeeze %dma_start3A_101 : memref<1x256x128xf32, #tpu.memory_space<hbm>> -> memref<256x128xf32, #tpu.memory_space<hbm>>
    tpu.enqueue_dma source(%arg10 : memref<256x128xf32, #tpu.memory_space<vmem>>) target(%dma_start3A_102 : memref<256x128xf32, #tpu.memory_space<hbm>>) target_semaphore(%arg14 : memref<!tpu.dma_semaphore, #tpu.memory_space<semaphore_mem>>)
    %dma_wait3A_103 = arith.constant 0 : i32
    %dma_wait3A_104 = tpu.memref_slice %arg7[%dma_wait3A_103] : memref<512xi32, #tpu.memory_space<vmem>> -> memref<256xi32, #tpu.memory_space<vmem>>
    %dma_wait3A_105 = arith.constant 0 : i32
    %dma_wait3A_106 = arith.constant 0 : i32
    %dma_wait3A_107 = tpu.memref_slice %arg3[%dma_wait3A_105, %dma_wait3A_106] : memref<100000x128xf32, #tpu.memory_space<hbm>> -> memref<100000x128xf32, #tpu.memory_space<hbm>>
    tpu.wait_indirect_dma semaphore(%arg11 : memref<!tpu.dma_semaphore, #tpu.memory_space<semaphore_mem>>) src(%dma_wait3A_107 : memref<100000x128xf32, #tpu.memory_space<hbm>>) dst(%arg9 : memref<256x128xf32, #tpu.memory_space<vmem>>)
    %dma_wait3A_108 = arith.constant 1 : i32
    %dma_wait3A_109 = arith.constant 0 : i32
    %dma_wait3A_110 = tpu.memref_slice %arg6[%dma_wait3A_108, %add3A_95, %dma_wait3A_109] : memref<4x16384x128xf32, #tpu.memory_space<hbm>> -> memref<1x256x128xf32, #tpu.memory_space<hbm>>
    %dma_wait3A_111 = tpu.memref_squeeze %dma_wait3A_110 : memref<1x256x128xf32, #tpu.memory_space<hbm>> -> memref<256x128xf32, #tpu.memory_space<hbm>>
    %dma_wait3A_112 = arith.constant 0 : i32
    %dma_wait3A_113 = tpu.memref_slice %arg6[%dma_wait3A_108, %add3A_95, %dma_wait3A_112] : memref<4x16384x128xf32, #tpu.memory_space<hbm>> -> memref<1x256x128xf32, #tpu.memory_space<hbm>>
    %dma_wait3A_114 = tpu.memref_squeeze %dma_wait3A_113 : memref<1x256x128xf32, #tpu.memory_space<hbm>> -> memref<256x128xf32, #tpu.memory_space<hbm>>
    tpu.wait_dma2 semaphore(%arg14 : memref<!tpu.dma_semaphore, #tpu.memory_space<semaphore_mem>>) src(%arg10 : memref<256x128xf32, #tpu.memory_space<vmem>>) dst(%dma_wait3A_114 : memref<256x128xf32, #tpu.memory_space<hbm>>)
    %dma_start3A_115 = arith.constant 256 : i32
    %dma_start3A_116 = tpu.memref_slice %arg7[%dma_start3A_115] : memref<512xi32, #tpu.memory_space<vmem>> -> memref<256xi32, #tpu.memory_space<vmem>>
    %dma_start3A_117 = arith.constant 0 : i32
    %dma_start3A_118 = arith.constant 0 : i32
    %dma_start3A_119 = tpu.memref_slice %arg3[%dma_start3A_117, %dma_start3A_118] : memref<100000x128xf32, #tpu.memory_space<hbm>> -> memref<100000x128xf32, #tpu.memory_space<hbm>>
    tpu.enqueue_indirect_dma source(%dma_start3A_119 : memref<100000x128xf32, #tpu.memory_space<hbm>>) target(%arg10 : memref<256x128xf32, #tpu.memory_space<vmem>>) offsets(%dma_start3A_116 : memref<256xi32, #tpu.memory_space<vmem>>) semaphore(%arg12 : memref<!tpu.dma_semaphore, #tpu.memory_space<semaphore_mem>>)
    %add3A_120 = arith.constant 0 : i32
    %add3A_121 = arith.addi %mul3A_2, %add3A_120 : i32
    %dma_start3A_122 = arith.constant 2 : i32
    %dma_start3A_123 = arith.constant 0 : i32
    %dma_start3A_124 = tpu.memref_slice %arg6[%dma_start3A_122, %add3A_121, %dma_start3A_123] : memref<4x16384x128xf32, #tpu.memory_space<hbm>> -> memref<1x256x128xf32, #tpu.memory_space<hbm>>
    %dma_start3A_125 = tpu.memref_squeeze %dma_start3A_124 : memref<1x256x128xf32, #tpu.memory_space<hbm>> -> memref<256x128xf32, #tpu.memory_space<hbm>>
    %dma_start3A_126 = arith.constant 0 : i32
    %dma_start3A_127 = tpu.memref_slice %arg6[%dma_start3A_122, %add3A_121, %dma_start3A_126] : memref<4x16384x128xf32, #tpu.memory_space<hbm>> -> memref<1x256x128xf32, #tpu.memory_space<hbm>>
    %dma_start3A_128 = tpu.memref_squeeze %dma_start3A_127 : memref<1x256x128xf32, #tpu.memory_space<hbm>> -> memref<256x128xf32, #tpu.memory_space<hbm>>
    tpu.enqueue_dma source(%arg9 : memref<256x128xf32, #tpu.memory_space<vmem>>) target(%dma_start3A_128 : memref<256x128xf32, #tpu.memory_space<hbm>>) target_semaphore(%arg13 : memref<!tpu.dma_semaphore, #tpu.memory_space<semaphore_mem>>)
    %dma_wait3A_129 = arith.constant 256 : i32
    %dma_wait3A_130 = tpu.memref_slice %arg7[%dma_wait3A_129] : memref<512xi32, #tpu.memory_space<vmem>> -> memref<256xi32, #tpu.memory_space<vmem>>
    %dma_wait3A_131 = arith.constant 0 : i32
    %dma_wait3A_132 = arith.constant 0 : i32
    %dma_wait3A_133 = tpu.memref_slice %arg3[%dma_wait3A_131, %dma_wait3A_132] : memref<100000x128xf32, #tpu.memory_space<hbm>> -> memref<100000x128xf32, #tpu.memory_space<hbm>>
    tpu.wait_indirect_dma semaphore(%arg12 : memref<!tpu.dma_semaphore, #tpu.memory_space<semaphore_mem>>) src(%dma_wait3A_133 : memref<100000x128xf32, #tpu.memory_space<hbm>>) dst(%arg10 : memref<256x128xf32, #tpu.memory_space<vmem>>)
    %dma_wait3A_134 = arith.constant 2 : i32
    %dma_wait3A_135 = arith.constant 0 : i32
    %dma_wait3A_136 = tpu.memref_slice %arg6[%dma_wait3A_134, %add3A_121, %dma_wait3A_135] : memref<4x16384x128xf32, #tpu.memory_space<hbm>> -> memref<1x256x128xf32, #tpu.memory_space<hbm>>
    %dma_wait3A_137 = tpu.memref_squeeze %dma_wait3A_136 : memref<1x256x128xf32, #tpu.memory_space<hbm>> -> memref<256x128xf32, #tpu.memory_space<hbm>>
    %dma_wait3A_138 = arith.constant 0 : i32
    %dma_wait3A_139 = tpu.memref_slice %arg6[%dma_wait3A_134, %add3A_121, %dma_wait3A_138] : memref<4x16384x128xf32, #tpu.memory_space<hbm>> -> memref<1x256x128xf32, #tpu.memory_space<hbm>>
    %dma_wait3A_140 = tpu.memref_squeeze %dma_wait3A_139 : memref<1x256x128xf32, #tpu.memory_space<hbm>> -> memref<256x128xf32, #tpu.memory_space<hbm>>
    tpu.wait_dma2 semaphore(%arg13 : memref<!tpu.dma_semaphore, #tpu.memory_space<semaphore_mem>>) src(%arg9 : memref<256x128xf32, #tpu.memory_space<vmem>>) dst(%dma_wait3A_140 : memref<256x128xf32, #tpu.memory_space<hbm>>)
    %dma_start3A_141 = arith.constant 0 : i32
    %dma_start3A_142 = tpu.memref_slice %arg8[%dma_start3A_141] : memref<512xi32, #tpu.memory_space<vmem>> -> memref<256xi32, #tpu.memory_space<vmem>>
    %dma_start3A_143 = arith.constant 0 : i32
    %dma_start3A_144 = arith.constant 0 : i32
    %dma_start3A_145 = tpu.memref_slice %arg3[%dma_start3A_143, %dma_start3A_144] : memref<100000x128xf32, #tpu.memory_space<hbm>> -> memref<100000x128xf32, #tpu.memory_space<hbm>>
    tpu.enqueue_indirect_dma source(%dma_start3A_145 : memref<100000x128xf32, #tpu.memory_space<hbm>>) target(%arg9 : memref<256x128xf32, #tpu.memory_space<vmem>>) offsets(%dma_start3A_142 : memref<256xi32, #tpu.memory_space<vmem>>) semaphore(%arg11 : memref<!tpu.dma_semaphore, #tpu.memory_space<semaphore_mem>>)
    %add3A_146 = arith.constant 256 : i32
    %add3A_147 = arith.addi %mul3A_2, %add3A_146 : i32
    %dma_start3A_148 = arith.constant 2 : i32
    %dma_start3A_149 = arith.constant 0 : i32
    %dma_start3A_150 = tpu.memref_slice %arg6[%dma_start3A_148, %add3A_147, %dma_start3A_149] : memref<4x16384x128xf32, #tpu.memory_space<hbm>> -> memref<1x256x128xf32, #tpu.memory_space<hbm>>
    %dma_start3A_151 = tpu.memref_squeeze %dma_start3A_150 : memref<1x256x128xf32, #tpu.memory_space<hbm>> -> memref<256x128xf32, #tpu.memory_space<hbm>>
    %dma_start3A_152 = arith.constant 0 : i32
    %dma_start3A_153 = tpu.memref_slice %arg6[%dma_start3A_148, %add3A_147, %dma_start3A_152] : memref<4x16384x128xf32, #tpu.memory_space<hbm>> -> memref<1x256x128xf32, #tpu.memory_space<hbm>>
    %dma_start3A_154 = tpu.memref_squeeze %dma_start3A_153 : memref<1x256x128xf32, #tpu.memory_space<hbm>> -> memref<256x128xf32, #tpu.memory_space<hbm>>
    tpu.enqueue_dma source(%arg10 : memref<256x128xf32, #tpu.memory_space<vmem>>) target(%dma_start3A_154 : memref<256x128xf32, #tpu.memory_space<hbm>>) target_semaphore(%arg14 : memref<!tpu.dma_semaphore, #tpu.memory_space<semaphore_mem>>)
    %dma_wait3A_155 = arith.constant 0 : i32
    %dma_wait3A_156 = tpu.memref_slice %arg8[%dma_wait3A_155] : memref<512xi32, #tpu.memory_space<vmem>> -> memref<256xi32, #tpu.memory_space<vmem>>
    %dma_wait3A_157 = arith.constant 0 : i32
    %dma_wait3A_158 = arith.constant 0 : i32
    %dma_wait3A_159 = tpu.memref_slice %arg3[%dma_wait3A_157, %dma_wait3A_158] : memref<100000x128xf32, #tpu.memory_space<hbm>> -> memref<100000x128xf32, #tpu.memory_space<hbm>>
    tpu.wait_indirect_dma semaphore(%arg11 : memref<!tpu.dma_semaphore, #tpu.memory_space<semaphore_mem>>) src(%dma_wait3A_159 : memref<100000x128xf32, #tpu.memory_space<hbm>>) dst(%arg9 : memref<256x128xf32, #tpu.memory_space<vmem>>)
    %dma_wait3A_160 = arith.constant 2 : i32
    %dma_wait3A_161 = arith.constant 0 : i32
    %dma_wait3A_162 = tpu.memref_slice %arg6[%dma_wait3A_160, %add3A_147, %dma_wait3A_161] : memref<4x16384x128xf32, #tpu.memory_space<hbm>> -> memref<1x256x128xf32, #tpu.memory_space<hbm>>
    %dma_wait3A_163 = tpu.memref_squeeze %dma_wait3A_162 : memref<1x256x128xf32, #tpu.memory_space<hbm>> -> memref<256x128xf32, #tpu.memory_space<hbm>>
    %dma_wait3A_164 = arith.constant 0 : i32
    %dma_wait3A_165 = tpu.memref_slice %arg6[%dma_wait3A_160, %add3A_147, %dma_wait3A_164] : memref<4x16384x128xf32, #tpu.memory_space<hbm>> -> memref<1x256x128xf32, #tpu.memory_space<hbm>>
    %dma_wait3A_166 = tpu.memref_squeeze %dma_wait3A_165 : memref<1x256x128xf32, #tpu.memory_space<hbm>> -> memref<256x128xf32, #tpu.memory_space<hbm>>
    tpu.wait_dma2 semaphore(%arg14 : memref<!tpu.dma_semaphore, #tpu.memory_space<semaphore_mem>>) src(%arg10 : memref<256x128xf32, #tpu.memory_space<vmem>>) dst(%dma_wait3A_166 : memref<256x128xf32, #tpu.memory_space<hbm>>)
    %dma_start3A_167 = arith.constant 256 : i32
    %dma_start3A_168 = tpu.memref_slice %arg8[%dma_start3A_167] : memref<512xi32, #tpu.memory_space<vmem>> -> memref<256xi32, #tpu.memory_space<vmem>>
    %dma_start3A_169 = arith.constant 0 : i32
    %dma_start3A_170 = arith.constant 0 : i32
    %dma_start3A_171 = tpu.memref_slice %arg3[%dma_start3A_169, %dma_start3A_170] : memref<100000x128xf32, #tpu.memory_space<hbm>> -> memref<100000x128xf32, #tpu.memory_space<hbm>>
    tpu.enqueue_indirect_dma source(%dma_start3A_171 : memref<100000x128xf32, #tpu.memory_space<hbm>>) target(%arg10 : memref<256x128xf32, #tpu.memory_space<vmem>>) offsets(%dma_start3A_168 : memref<256xi32, #tpu.memory_space<vmem>>) semaphore(%arg12 : memref<!tpu.dma_semaphore, #tpu.memory_space<semaphore_mem>>)
    %add3A_172 = arith.constant 0 : i32
    %add3A_173 = arith.addi %mul3A_2, %add3A_172 : i32
    %dma_start3A_174 = arith.constant 3 : i32
    %dma_start3A_175 = arith.constant 0 : i32
    %dma_start3A_176 = tpu.memref_slice %arg6[%dma_start3A_174, %add3A_173, %dma_start3A_175] : memref<4x16384x128xf32, #tpu.memory_space<hbm>> -> memref<1x256x128xf32, #tpu.memory_space<hbm>>
    %dma_start3A_177 = tpu.memref_squeeze %dma_start3A_176 : memref<1x256x128xf32, #tpu.memory_space<hbm>> -> memref<256x128xf32, #tpu.memory_space<hbm>>
    %dma_start3A_178 = arith.constant 0 : i32
    %dma_start3A_179 = tpu.memref_slice %arg6[%dma_start3A_174, %add3A_173, %dma_start3A_178] : memref<4x16384x128xf32, #tpu.memory_space<hbm>> -> memref<1x256x128xf32, #tpu.memory_space<hbm>>
    %dma_start3A_180 = tpu.memref_squeeze %dma_start3A_179 : memref<1x256x128xf32, #tpu.memory_space<hbm>> -> memref<256x128xf32, #tpu.memory_space<hbm>>
    tpu.enqueue_dma source(%arg9 : memref<256x128xf32, #tpu.memory_space<vmem>>) target(%dma_start3A_180 : memref<256x128xf32, #tpu.memory_space<hbm>>) target_semaphore(%arg13 : memref<!tpu.dma_semaphore, #tpu.memory_space<semaphore_mem>>)
    %dma_wait3A_181 = arith.constant 256 : i32
    %dma_wait3A_182 = tpu.memref_slice %arg8[%dma_wait3A_181] : memref<512xi32, #tpu.memory_space<vmem>> -> memref<256xi32, #tpu.memory_space<vmem>>
    %dma_wait3A_183 = arith.constant 0 : i32
    %dma_wait3A_184 = arith.constant 0 : i32
    %dma_wait3A_185 = tpu.memref_slice %arg3[%dma_wait3A_183, %dma_wait3A_184] : memref<100000x128xf32, #tpu.memory_space<hbm>> -> memref<100000x128xf32, #tpu.memory_space<hbm>>
    tpu.wait_indirect_dma semaphore(%arg12 : memref<!tpu.dma_semaphore, #tpu.memory_space<semaphore_mem>>) src(%dma_wait3A_185 : memref<100000x128xf32, #tpu.memory_space<hbm>>) dst(%arg10 : memref<256x128xf32, #tpu.memory_space<vmem>>)
    %add3A_186 = arith.constant 256 : i32
    %add3A_187 = arith.addi %mul3A_2, %add3A_186 : i32
    %dma_start3A_188 = arith.constant 3 : i32
    %dma_start3A_189 = arith.constant 0 : i32
    %dma_start3A_190 = tpu.memref_slice %arg6[%dma_start3A_188, %add3A_187, %dma_start3A_189] : memref<4x16384x128xf32, #tpu.memory_space<hbm>> -> memref<1x256x128xf32, #tpu.memory_space<hbm>>
    %dma_start3A_191 = tpu.memref_squeeze %dma_start3A_190 : memref<1x256x128xf32, #tpu.memory_space<hbm>> -> memref<256x128xf32, #tpu.memory_space<hbm>>
    %dma_start3A_192 = arith.constant 0 : i32
    %dma_start3A_193 = tpu.memref_slice %arg6[%dma_start3A_188, %add3A_187, %dma_start3A_192] : memref<4x16384x128xf32, #tpu.memory_space<hbm>> -> memref<1x256x128xf32, #tpu.memory_space<hbm>>
    %dma_start3A_194 = tpu.memref_squeeze %dma_start3A_193 : memref<1x256x128xf32, #tpu.memory_space<hbm>> -> memref<256x128xf32, #tpu.memory_space<hbm>>
    tpu.enqueue_dma source(%arg10 : memref<256x128xf32, #tpu.memory_space<vmem>>) target(%dma_start3A_194 : memref<256x128xf32, #tpu.memory_space<hbm>>) target_semaphore(%arg14 : memref<!tpu.dma_semaphore, #tpu.memory_space<semaphore_mem>>)
    %dma_wait3A_195 = arith.constant 3 : i32
    %dma_wait3A_196 = arith.constant 0 : i32
    %dma_wait3A_197 = tpu.memref_slice %arg6[%dma_wait3A_195, %add3A_173, %dma_wait3A_196] : memref<4x16384x128xf32, #tpu.memory_space<hbm>> -> memref<1x256x128xf32, #tpu.memory_space<hbm>>
    %dma_wait3A_198 = tpu.memref_squeeze %dma_wait3A_197 : memref<1x256x128xf32, #tpu.memory_space<hbm>> -> memref<256x128xf32, #tpu.memory_space<hbm>>
    %dma_wait3A_199 = arith.constant 0 : i32
    %dma_wait3A_200 = tpu.memref_slice %arg6[%dma_wait3A_195, %add3A_173, %dma_wait3A_199] : memref<4x16384x128xf32, #tpu.memory_space<hbm>> -> memref<1x256x128xf32, #tpu.memory_space<hbm>>
    %dma_wait3A_201 = tpu.memref_squeeze %dma_wait3A_200 : memref<1x256x128xf32, #tpu.memory_space<hbm>> -> memref<256x128xf32, #tpu.memory_space<hbm>>
    tpu.wait_dma2 semaphore(%arg13 : memref<!tpu.dma_semaphore, #tpu.memory_space<semaphore_mem>>) src(%arg9 : memref<256x128xf32, #tpu.memory_space<vmem>>) dst(%dma_wait3A_201 : memref<256x128xf32, #tpu.memory_space<hbm>>)
    %dma_wait3A_202 = arith.constant 3 : i32
    %dma_wait3A_203 = arith.constant 0 : i32
    %dma_wait3A_204 = tpu.memref_slice %arg6[%dma_wait3A_202, %add3A_187, %dma_wait3A_203] : memref<4x16384x128xf32, #tpu.memory_space<hbm>> -> memref<1x256x128xf32, #tpu.memory_space<hbm>>
    %dma_wait3A_205 = tpu.memref_squeeze %dma_wait3A_204 : memref<1x256x128xf32, #tpu.memory_space<hbm>> -> memref<256x128xf32, #tpu.memory_space<hbm>>
    %dma_wait3A_206 = arith.constant 0 : i32
    %dma_wait3A_207 = tpu.memref_slice %arg6[%dma_wait3A_202, %add3A_187, %dma_wait3A_206] : memref<4x16384x128xf32, #tpu.memory_space<hbm>> -> memref<1x256x128xf32, #tpu.memory_space<hbm>>
    %dma_wait3A_208 = tpu.memref_squeeze %dma_wait3A_207 : memref<1x256x128xf32, #tpu.memory_space<hbm>> -> memref<256x128xf32, #tpu.memory_space<hbm>>
    tpu.wait_dma2 semaphore(%arg14 : memref<!tpu.dma_semaphore, #tpu.memory_space<semaphore_mem>>) src(%arg10 : memref<256x128xf32, #tpu.memory_space<vmem>>) dst(%dma_wait3A_208 : memref<256x128xf32, #tpu.memory_space<hbm>>)
    return
  }
}

module attributes {stable_mosaic.version = 14 : i64} {
  func.func @_mlp_body(%arg0: i32, %arg1: memref<4x2048x128xf32, #tpu.memory_space<vmem>>, %arg2: memref<4x128x128xf32, #tpu.memory_space<vmem>>, %arg3: memref<1x128xf32, #tpu.memory_space<vmem>>, %arg4: memref<1x128xf32, #tpu.memory_space<vmem>>, %arg5: memref<1xf32, #tpu.memory_space<vmem>>, %arg6: memref<2048xf32, #tpu.memory_space<vmem>>) attributes {dimension_semantics = [#tpu.dimension_semantics<arbitrary>], iteration_bounds = array<i64: 8>, scalar_prefetch = 0 : i64, scratch_operands = 0 : i64, tpu.core_type = #tpu.core_type<tc>, window_params = [{transform_indices = @transform_0, window_bounds = array<i64: 4, 2048, 128>}, {pipeline_mode = #tpu.pipeline_mode<synchronous>, transform_indices = @transform_1, window_bounds = array<i64: 4, 128, 128>}, {pipeline_mode = #tpu.pipeline_mode<synchronous>, transform_indices = @transform_2, window_bounds = array<i64: 1, 128>}, {pipeline_mode = #tpu.pipeline_mode<synchronous>, transform_indices = @transform_3, window_bounds = array<i64: 1, 128>}, {pipeline_mode = #tpu.pipeline_mode<synchronous>, transform_indices = @transform_4, window_bounds = array<i64: 1>}, {transform_indices = @transform_5, window_bounds = array<i64: 2048>}]} {
    %get3A = arith.constant 0 : index
    %get3A_0 = arith.constant 0 : index
    %get3A_1 = arith.constant 0 : index
    %get3A_2 = vector.load %arg1[%get3A, %get3A_0, %get3A_1] : memref<4x2048x128xf32, #tpu.memory_space<vmem>>, vector<1x2048x128xf32>
    %get3A_3 = vector.shape_cast %get3A_2 : vector<1x2048x128xf32> to vector<2048x128xf32>
    %convert_element_type3A = arith.truncf %get3A_3 : vector<2048x128xf32> to vector<2048x128xbf16>
    %get3A_4 = arith.constant 0 : index
    %get3A_5 = arith.constant 0 : index
    %get3A_6 = arith.constant 0 : index
    %get3A_7 = vector.load %arg2[%get3A_4, %get3A_5, %get3A_6] : memref<4x128x128xf32, #tpu.memory_space<vmem>>, vector<1x128x128xf32>
    %get3A_8 = vector.shape_cast %get3A_7 : vector<1x128x128xf32> to vector<128x128xf32>
    %convert_element_type3A_9 = arith.truncf %get3A_8 : vector<128x128xf32> to vector<128x128xbf16>
    %dot_general3A = arith.constant dense<0.000000e+00> : vector<2048x128xf32>
    %dot_general3A_10 = tpu.matmul %convert_element_type3A, %convert_element_type3A_9, %dot_general3A {dimension_numbers = #tpu.dot_dimension_numbers<[1], [0], [0], [1], [0, 0, 1, 1], [], []>, transpose_lhs_hint = false} : vector<2048x128xbf16>, vector<128x128xbf16>, vector<2048x128xf32> -> vector<2048x128xf32>
    %get3A_11 = arith.constant 1 : index
    %get3A_12 = arith.constant 0 : index
    %get3A_13 = arith.constant 0 : index
    %get3A_14 = vector.load %arg1[%get3A_11, %get3A_12, %get3A_13] : memref<4x2048x128xf32, #tpu.memory_space<vmem>>, vector<1x2048x128xf32>
    %get3A_15 = vector.shape_cast %get3A_14 : vector<1x2048x128xf32> to vector<2048x128xf32>
    %convert_element_type3A_16 = arith.truncf %get3A_15 : vector<2048x128xf32> to vector<2048x128xbf16>
    %get3A_17 = arith.constant 1 : index
    %get3A_18 = arith.constant 0 : index
    %get3A_19 = arith.constant 0 : index
    %get3A_20 = vector.load %arg2[%get3A_17, %get3A_18, %get3A_19] : memref<4x128x128xf32, #tpu.memory_space<vmem>>, vector<1x128x128xf32>
    %get3A_21 = vector.shape_cast %get3A_20 : vector<1x128x128xf32> to vector<128x128xf32>
    %convert_element_type3A_22 = arith.truncf %get3A_21 : vector<128x128xf32> to vector<128x128xbf16>
    %dot_general3A_23 = arith.constant dense<0.000000e+00> : vector<2048x128xf32>
    %dot_general3A_24 = tpu.matmul %convert_element_type3A_16, %convert_element_type3A_22, %dot_general3A_23 {dimension_numbers = #tpu.dot_dimension_numbers<[1], [0], [0], [1], [0, 0, 1, 1], [], []>, transpose_lhs_hint = false} : vector<2048x128xbf16>, vector<128x128xbf16>, vector<2048x128xf32> -> vector<2048x128xf32>
    %add3A = arith.addf %dot_general3A_10, %dot_general3A_24 : vector<2048x128xf32>
    %get3A_25 = arith.constant 2 : index
    %get3A_26 = arith.constant 0 : index
    %get3A_27 = arith.constant 0 : index
    %get3A_28 = vector.load %arg1[%get3A_25, %get3A_26, %get3A_27] : memref<4x2048x128xf32, #tpu.memory_space<vmem>>, vector<1x2048x128xf32>
    %get3A_29 = vector.shape_cast %get3A_28 : vector<1x2048x128xf32> to vector<2048x128xf32>
    %convert_element_type3A_30 = arith.truncf %get3A_29 : vector<2048x128xf32> to vector<2048x128xbf16>
    %get3A_31 = arith.constant 2 : index
    %get3A_32 = arith.constant 0 : index
    %get3A_33 = arith.constant 0 : index
    %get3A_34 = vector.load %arg2[%get3A_31, %get3A_32, %get3A_33] : memref<4x128x128xf32, #tpu.memory_space<vmem>>, vector<1x128x128xf32>
    %get3A_35 = vector.shape_cast %get3A_34 : vector<1x128x128xf32> to vector<128x128xf32>
    %convert_element_type3A_36 = arith.truncf %get3A_35 : vector<128x128xf32> to vector<128x128xbf16>
    %dot_general3A_37 = arith.constant dense<0.000000e+00> : vector<2048x128xf32>
    %dot_general3A_38 = tpu.matmul %convert_element_type3A_30, %convert_element_type3A_36, %dot_general3A_37 {dimension_numbers = #tpu.dot_dimension_numbers<[1], [0], [0], [1], [0, 0, 1, 1], [], []>, transpose_lhs_hint = false} : vector<2048x128xbf16>, vector<128x128xbf16>, vector<2048x128xf32> -> vector<2048x128xf32>
    %add3A_39 = arith.addf %add3A, %dot_general3A_38 : vector<2048x128xf32>
    %get3A_40 = arith.constant 3 : index
    %get3A_41 = arith.constant 0 : index
    %get3A_42 = arith.constant 0 : index
    %get3A_43 = vector.load %arg1[%get3A_40, %get3A_41, %get3A_42] : memref<4x2048x128xf32, #tpu.memory_space<vmem>>, vector<1x2048x128xf32>
    %get3A_44 = vector.shape_cast %get3A_43 : vector<1x2048x128xf32> to vector<2048x128xf32>
    %convert_element_type3A_45 = arith.truncf %get3A_44 : vector<2048x128xf32> to vector<2048x128xbf16>
    %get3A_46 = arith.constant 3 : index
    %get3A_47 = arith.constant 0 : index
    %get3A_48 = arith.constant 0 : index
    %get3A_49 = vector.load %arg2[%get3A_46, %get3A_47, %get3A_48] : memref<4x128x128xf32, #tpu.memory_space<vmem>>, vector<1x128x128xf32>
    %get3A_50 = vector.shape_cast %get3A_49 : vector<1x128x128xf32> to vector<128x128xf32>
    %convert_element_type3A_51 = arith.truncf %get3A_50 : vector<128x128xf32> to vector<128x128xbf16>
    %dot_general3A_52 = arith.constant dense<0.000000e+00> : vector<2048x128xf32>
    %dot_general3A_53 = tpu.matmul %convert_element_type3A_45, %convert_element_type3A_51, %dot_general3A_52 {dimension_numbers = #tpu.dot_dimension_numbers<[1], [0], [0], [1], [0, 0, 1, 1], [], []>, transpose_lhs_hint = false} : vector<2048x128xbf16>, vector<128x128xbf16>, vector<2048x128xf32> -> vector<2048x128xf32>
    %add3A_54 = arith.addf %add3A_39, %dot_general3A_53 : vector<2048x128xf32>
    %get3A_55 = arith.constant 0 : index
    %get3A_56 = arith.constant 0 : index
    %get3A_57 = vector.load %arg3[%get3A_55, %get3A_56] : memref<1x128xf32, #tpu.memory_space<vmem>>, vector<1x128xf32>
    %get3A_58 = vector.shape_cast %get3A_57 : vector<1x128xf32> to vector<128xf32>
    %broadcast_in_dim3A = vector.shape_cast %get3A_58 : vector<128xf32> to vector<1x128xf32>
    %add3A_59 = vector.broadcast %broadcast_in_dim3A : vector<1x128xf32> to vector<2048x128xf32>
    %add3A_60 = arith.addf %add3A_54, %add3A_59 : vector<2048x128xf32>
    %max3A = arith.constant 0.000000e+00 : f32
    %max3A_61 = vector.broadcast %max3A : f32 to vector<2048x128xf32>
    %max3A_62 = arith.maximumf %add3A_60, %max3A_61 : vector<2048x128xf32>
    %get3A_63 = arith.constant 0 : index
    %get3A_64 = arith.constant 0 : index
    %get3A_65 = vector.load %arg4[%get3A_63, %get3A_64] : memref<1x128xf32, #tpu.memory_space<vmem>>, vector<1x128xf32>
    %get3A_66 = vector.shape_cast %get3A_65 : vector<1x128xf32> to vector<128xf32>
    %broadcast_in_dim3A_67 = vector.shape_cast %get3A_66 : vector<128xf32> to vector<1x128xf32>
    %mul3A = vector.broadcast %broadcast_in_dim3A_67 : vector<1x128xf32> to vector<2048x128xf32>
    %mul3A_68 = arith.mulf %max3A_62, %mul3A : vector<2048x128xf32>
    %reduce_sum3A = arith.constant dense<0.000000e+00> : vector<2048xf32>
    %reduce_sum3A_69 = vector.multi_reduction <add>, %mul3A_68, %reduce_sum3A [1] : vector<2048x128xf32> to vector<2048xf32>
    %get3A_70 = arith.constant 0 : index
    %get3A_71 = vector.load %arg5[%get3A_70] : memref<1xf32, #tpu.memory_space<vmem>>, vector<1xf32>
    %get3A_72 = vector.extract %get3A_71[0] : f32 from vector<1xf32>
    %add3A_73 = vector.broadcast %get3A_72 : f32 to vector<2048xf32>
    %add3A_74 = arith.addf %reduce_sum3A_69, %add3A_73 : vector<2048xf32>
    %swap3A = arith.constant 0 : index
    %swap3A_75 = vector.load %arg6[%swap3A] : memref<2048xf32, #tpu.memory_space<vmem>>, vector<2048xf32>
    tpu.vector_store %arg6[%swap3A], %add3A_74 {strides = array<i32>} : memref<2048xf32, #tpu.memory_space<vmem>>, vector<2048xf32>,
    return
  }
  func.func @transform_0(%arg0: i32) -> (i32, i32, i32) {
    %c0_i32 = arith.constant 0 : i32
    %c0_i32_0 = arith.constant 0 : i32
    %c0_i32_1 = arith.constant 0 : i32
    return %c0_i32, %arg0, %c0_i32_0 : i32, i32, i32
  }
  func.func @transform_1(%arg0: i32) -> (i32, i32, i32) {
    %c0_i32 = arith.constant 0 : i32
    %c0_i32_0 = arith.constant 0 : i32
    %c0_i32_1 = arith.constant 0 : i32
    %c0_i32_2 = arith.constant 0 : i32
    return %c0_i32, %c0_i32_0, %c0_i32_1 : i32, i32, i32
  }
  func.func @transform_2(%arg0: i32) -> (i32, i32) {
    %c0_i32 = arith.constant 0 : i32
    %c0_i32_0 = arith.constant 0 : i32
    %c0_i32_1 = arith.constant 0 : i32
    return %c0_i32, %c0_i32_0 : i32, i32
  }
  func.func @transform_3(%arg0: i32) -> (i32, i32) {
    %c0_i32 = arith.constant 0 : i32
    %c0_i32_0 = arith.constant 0 : i32
    %c0_i32_1 = arith.constant 0 : i32
    return %c0_i32, %c0_i32_0 : i32, i32
  }
  func.func @transform_4(%arg0: i32) -> i32 {
    %c0_i32 = arith.constant 0 : i32
    %c0_i32_0 = arith.constant 0 : i32
    return %c0_i32 : i32
  }
  func.func @transform_5(%arg0: i32) -> i32 {
    %c0_i32 = arith.constant 0 : i32
    return %arg0 : i32
  }
}

</mosaic_0001>

<sc_bundles>
// kernel: kernel.4.cloned.1.call-start
scs
__scs_entry_jumppad:
0x0: {  	(pc) =	sbr.rel $0x88, $3  }
0x1: {  	(tag) =	ssettag $0x0;
	lr =	simm.s32 $0x1  }
0x2: {  	[smem:$0x3F99] =	sst lr;
	_ =	strace $0xD0000000  }
0x3: {  	_ = 	snop  }
0x4: {  	_ = 	snop  }
0x5: {  	_ = 	snop  }
0x6: {  	_ = 	snop  }
0x7: {  	_ = 	snop  }
__scs_overlays_trampoline_lowered:
0x8: {  	[smem:$0x3FA8] =	sst s0  }
0x9: {  	[smem:$0x3FA9] =	sst s1  }
0xa: {  	[smem:$0x3FAA] =	sst s2  }
0xb: {  	[smem:$0x3FAB] =	sst s3  }
0xc: {  	[smem:$0x3FAC] =	sst s4  }
0xd: {  	[smem:$0x3FAD] =	sst s5  }
0xe: {  	[smem:$0x3FAE] =	sst s6  }
0xf: {  	[smem:$0x3FAF] =	sst s7  }
0x10: {  	[smem:$0x3FB0] =	sst s8  }
0x11: {  	[smem:$0x3FB1] =	sst s9;
	s0 =	simm.s32 @!p0 $0x0  }
0x12: {  	s1 =	sld [smem:$0x3F97];
	s0 =	simm.s32 @p0 $0x1  }
0x13: {  	[smem:$0x3FB2] =	sst s0;
	s0 =	simm.s32 @!p1 $0x0  }
0x14: {  	s2 =	sld [smem:$0x3F96];
	s0 =	simm.s32 @p1 $0x1  }
0x15: {  	[smem:$0x3FB3] =	sst s0;
	s0 =	simm.s32 @!p2 $0x0  }
0x16: {  	s3 =	sld [smem:$0x3FDB];
	s0 =	simm.s32 @p2 $0x1  }
0x17: {  	s4 =	simm.s32 $0x1BF5;
	[smem:$0x3FB5] =	sst s0  }
0x18: {  	s0 =	sld [smem:$0x3F98];
	_ =	swait.ge [sflag:s4], $0x0  }
0x19: {  	s7 =	sld [smem:$0x3F99]  }
0x1a: {  	s8 =	sadd.s32 $0xFFFFE003, lr  }
0x1b: {  	s9 =	sadd.s32 $0xFFFFFEF7, lr;
	s5 =	simm.s32 $0xFFFFFFFF;
	p2 =	slt.u32 s8, $0xFFFFF086  }
0x1c: {  	p1 =	slt.u32 s9, $0xF7A;
	s5 =	simm.s32 @!p2 $0x0  }
0x1d: {  	s5 =	simm.s32 @p1 $0x1;
	p0 =	seq.s32 s7, s2  }
0x1e: {  	s7 =	smul.u32 @!p0 $0xF7A, s2;
	p2 =	seq.s32 @!p0 s5, $0x0  }
0x1f: {  	s9 =	smul.u32 $0xF7A, s1;
	s8 =	simm.s32 @!p0 $0x1BF5;
	p2 =	por !p2, p0  }
0x20: {  	[sflag:s8] =	ssyncset.s32 @!p0 $0xFFFFF086;
	s6 =	sadd.s32 @!p0 s3, s7;
	s7 =	simm.s32 @!p0 $0x108  }
0x21: {  	s3 =	sadd.s32 s3, s9;
	s6 =	sadd.s32 @!p0 $0x88, s6;
	s7 =	simm.s32 @p2 $0x1082  }
0x22: {  	[simem:s7], [sflag:s8] =	dma.local @!p0 [hbm:s6], $0xF7A  }
0x23: {  	s9 =	sor.u32 $0xD0000000, s2;
	s6 =	simm.s32 $0x108;
	_ =	swait.ge @!p0 [sflag:s8], $0x0  }
0x24: {  	s3 =	sadd.s32 $0x88, s3;
	s6 =	simm.s32 @!p1 $0x1082;
	[sflag:s4] =	ssyncset.s32 $0xFFFFF086  }
0x25: {  	[simem:s6], [sflag:s4] =	dma.local [hbm:s3], $0xF7A  }
0x26: {  	[smem:$0x3F99] =	sst s1;
	(tag) =	ssettag s2;
	_ =	strace s9  }
0x27: {  	s1 =	sld [smem:$0x3FA9]  }
0x28: {  	s2 =	sld [smem:$0x3FAA]  }
0x29: {  	s4 =	sld [smem:$0x3FAC]  }
0x2a: {  	p0 =	seq.s32 s5, $0x0;
	s5 =	sld [smem:$0x3FAD]  }
0x2b: {  	s6 =	sld [smem:$0x3FAE]  }
0x2c: {  	s7 =	sld [smem:$0x3FAF]  }
0x2d: {  	s3 =	simm.s32 $0x108;
	s8 =	sld [smem:$0x3FB0]  }
0x2e: {  	s3 =	simm.s32 @!p0 $0x1082;
	s9 =	sld [smem:$0x3FB1]  }
0x2f: {  	lr =	sadd.s32 s0, s3;
	s0 =	sld [smem:$0x3FA8]  }
0x30: {  	s3 =	sld [smem:$0x3FAB]  }
0x31: {  	[smem:$0x3FB4] =	sst s10  }
0x32: {  	s10 =	sld [smem:$0x3FB2];
	_ =	sdelay $0x3  }
0x33: {  	p0 =	seq.s32 s10, $0x1;
	s10 =	sld [smem:$0x3FB4];
	_ =	sdelay $0x3  }
0x34: {  	[smem:$0x3FB4] =	sst s10  }
0x35: {  	s10 =	sld [smem:$0x3FB3];
	_ =	sdelay $0x3  }
0x36: {  	p1 =	seq.s32 s10, $0x1;
	s10 =	sld [smem:$0x3FB4];
	_ =	sdelay $0x3  }
0x37: {  	[smem:$0x3FB4] =	sst s10  }
0x38: {  	s10 =	sld [smem:$0x3FB5]  }
0x39: {  	_ = 	snop;
	(pc) =	sbr.ind lr, $3  }
0x3a: {  	_ = 	snop  }
0x3b: {  	_ = 	snop  }
0x3c: {  	p2 =	seq.s32 s10, $0x1;
	s10 =	sld [smem:$0x3FB4]  }
0x3d: {  	_ =	shalt  }
0x3e: {  	_ =	shalt  }
0x3f: {  	_ =	shalt  }
0x40: {  	_ =	shalt  }
0x41: {  	_ =	shalt  }
0x42: {  	_ =	shalt  }
0x43: {  	_ =	shalt  }
0x44: {  	_ =	shalt  }
0x45: {  	_ =	shalt  }
0x46: {  	_ =	shalt  }
0x47: {  	_ =	shalt  }
0x48: {  	_ =	shalt  }
0x49: {  	_ =	shalt  }
0x4a: {  	_ =	shalt  }
0x4b: {  	_ =	shalt  }
0x4c: {  	_ =	shalt  }
0x4d: {  	_ =	shalt  }
0x4e: {  	_ =	shalt  }
0x4f: {  	_ =	shalt  }
0x50: {  	_ =	shalt  }
0x51: {  	_ =	shalt  }
0x52: {  	_ =	shalt  }
0x53: {  	_ =	shalt  }
0x54: {  	_ =	shalt  }
0x55: {  	_ =	shalt  }
0x56: {  	_ =	shalt  }
0x57: {  	_ =	shalt  }
0x58: {  	_ =	shalt  }
0x59: {  	_ =	shalt  }
0x5a: {  	_ =	shalt  }
0x5b: {  	_ =	shalt  }
0x5c: {  	_ =	shalt  }
0x5d: {  	_ =	shalt  }
0x5e: {  	_ =	shalt  }
0x5f: {  	_ =	shalt  }
0x60: {  	_ =	shalt  }
0x61: {  	_ =	shalt  }
0x62: {  	_ =	shalt  }
0x63: {  	_ =	shalt  }
0x64: {  	_ =	shalt  }
0x65: {  	_ =	shalt  }
0x66: {  	_ =	shalt  }
0x67: {  	_ =	shalt  }
0x68: {  	_ =	shalt  }
0x69: {  	_ =	shalt  }
0x6a: {  	_ =	shalt  }
0x6b: {  	_ =	shalt  }
0x6c: {  	_ =	shalt  }
0x6d: {  	_ =	shalt  }
0x6e: {  	_ =	shalt  }
0x6f: {  	_ =	shalt  }
0x70: {  	_ =	shalt  }
0x71: {  	_ =	shalt  }
0x72: {  	_ =	shalt  }
0x73: {  	_ =	shalt  }
0x74: {  	_ =	shalt  }
0x75: {  	_ =	shalt  }
0x76: {  	_ =	shalt  }
0x77: {  	_ =	shalt  }
0x78: {  	_ =	shalt  }
0x79: {  	_ =	shalt  }
0x7a: {  	_ =	shalt  }
0x7b: {  	_ =	shalt  }
0x7c: {  	_ =	shalt  }
0x7d: {  	_ =	shalt  }
0x7e: {  	_ =	shalt  }
0x7f: {  	_ =	shalt  }
0x80: {  	_ =	shalt  }
0x81: {  	_ =	shalt  }
0x82: {  	_ =	shalt  }
0x83: {  	_ =	shalt  }
0x84: {  	_ =	shalt  }
0x85: {  	_ =	shalt  }
0x86: {  	_ =	shalt  }
0x87: {  	_ =	shalt  }
.Lfunc_end0:
.L_simem_size_0:
called_computation_lowered:
.L_overlay_start_0:
0x88: {  	s2 =	sld [smem:$0x3FD9]  }
0x89: {  	s3 =	sld [smem:$0x3FFE];
	_ =	sdelay $0x1  }
0x8a: {  	s1 =	srdreg.scid  }
0x8b: {  	s0 =	sand.u32 $0x1, s1  }
0x8c: {  	s17 =	sshll.u32 s0, $0xA;
	s2 =	sadd.s32 s3, s2  }
0x8d: {  	s2 =	sadd.s32 s2, s17  }
0x8e: {  	[smem:$0x3FC0] =	sst s2  }
0x8f: {  	_ = 	snop  }
0x90: {  	s2 =	sld [smem:$0x3FC9]  }
0x91: {  	s18 =	sld [smem:$0x3FC8]  }
0x92: {  	s4 =	sld [smem:$0x3FC7]  }
0x93: {  	s5 =	sld [smem:$0x3FC6];
	(tm) =	ssettm $0x1  }
0x94: {  	s6 =	sld [smem:$0x3FFB];
	_ =	sdelay $0x3  }
0x95: {  	_ =	strace s6  }
0x96: {  	s6 =	sld [smem:$0x3FFC];
	_ =	sdelay $0x3  }
0x97: {  	_ =	strace s6  }
0x98: {  	s6 =	sld [smem:$0x3FFD];
	_ =	sdelay $0x3  }
0x99: {  	_ =	strace s6  }
0x9a: {  	_ =	strace $0x8FFFFFFF  }
0x9b: {  	s19 =	sld [smem:$0x3FDB];
	_ =	sdelay $0x1  }
0x9c: {  	s7 =	simm.s32 $_scs_section_size  }
0x9d: {  	s8 =	simm.s32 $_size__tile_overlayer_lowered;
	s9 =	simm.s32 $_tile_overlayer_lowered  }
0x9e: {  	s22 =	simm.s32 $0x1BFF;
	s21 =	sshll.u32 s9, $0x1;
	s6 =	sadd.s32 s7, s19  }
0x9f: {  	s10 =	simm.s32 $0x0;
	s20 =	sshll.u32 s8, $0x1;
	s8 =	sadd.s32 s21, s6  }
0xa0: {  	[timem:s10], [sflag:s22] =	dma.local [hbm:s8], s20  }
0xa1: {  	_ =	swait.ge [sflag:s22], s20  }
0xa2: {  	s7 =	ssub.s32 $0x0, s20;
	[sflag:s22] =	ssyncset.done $0x0  }
0xa3: {  	[sflag:s22] =	ssyncadd.s32 s7;
	_ =	sdelay $0x1  }
0xa4: {  	s23 =	simm.s32 $0x1B8B  }
0xa5: {  	_ =	swait.ge [sflag:s23], $0x1  }
0xa6: {  	[sflag:s23] =	ssyncset.done $0x0  }
0xa7: {  	s25 =	simm.s32 $0x1B8E;
	s24 =	sld [smem:$0x3FFE];
	[sflag:s23] =	ssyncadd.s32 $0xFFFFFFFF  }
0xa8: {  	s26 =	simm.s32 $execute0_lowered;
	[smem:$0x3FD2] =	sst s25  }
0xa9: {  	s8 =	sshll.u32 s26, $0x1;
	_ =	strace $0x80000046;
	[dreg:$0x1] =	wrdreg $0xFFFFFFFF  }
0xaa: {  	s28 =	simm.s32 $_size_execute0_lowered;
	s6 =	sadd.s32 s6, s8;
	[dreg:$0x0] =	wrdreg $0x0  }
0xab: {  	s8 =	sshll.u32 s28, $0x1;
	[dreg:$0x2] =	wrdreg s6  }
0xac: {  	[dreg:$0x3] =	wrdreg s8  }
0xad: {  	[dreg:$0x4] =	wrdreg $0xC0  }
0xae: {  	_ =	task [dreg:s10], $0x5FFFF  }
0xaf: {  	[dreg:$0x1] =	wrdreg $0xFFFFFFFF  }
0xb0: {  	[dreg:$0x0] =	wrdreg $0x60  }
0xb1: {  	[dreg:$0x2] =	wrdreg s4  }
0xb2: {  	[dreg:$0x3] =	wrdreg s5  }
0xb3: {  	[dreg:$0x4] =	wrdreg s2  }
0xb4: {  	[dreg:$0x5] =	wrdreg s18  }
0xb5: {  	[dreg:$0x6] =	wrdreg s24  }
0xb6: {  	[dreg:$0x7] =	wrdreg $0x9  }
0xb7: {  	_ =	task.clear_ibuf [dreg:s10], $0x8FFFF;
	_ =	strace $0x90000046  }
0xb8: {  	s29 =	simm.s32 $0x9;
	_ =	strace $0x80000048  }
0xb9: {  	_ =	swait.ge [sflag:s29], $0x1  }
0xba: {  	[sflag:s29] =	ssyncadd.s32 $0xFFFFFFFF  }
0xbb: {  	_ =	strace $0x90000048  }
0xbc: {  	_ =	sfence  }
0xbd: {  	s30 =	sld [smem:$0x0];
	_ =	sdelay $0x2  }
0xbe: {  	s31 =	sshll.u32 s1, $0xD;
	s1 =	sshrl.u32 s1, $0x2  }
0xbf: {  	s3 =	sand.u32 $0x4000, s31;
	s1 =	sadd.s32 s1, s30  }
0xc0: {  	s0 =	sor.u32 s3, s0;
	s1 =	sshll.u32 s1, $0x11  }
0xc1: {  	s0 =	sor.u32 s1, s0  }
0xc2: {  	s0 =	sadd.s32 $0x8F2B, s0  }
0xc3: {  	[sflag:s0] =	ssyncadd.remote.s32 $0x1  }
0xc4: {  	_ =	sfence.sel $0xFFFF  }
0xc5: {  	[dreg:$0x0] =	wrdreg $0xFFFFFFFF;
	(pc) =	sbr.abs _section_cstart, $3  }
0xc6: {  	[dreg:$0x1] =	wrdreg $0xFFFFFFFF  }
0xc7: {  	_ =	task.clear_ibuf [dreg:s10], $0x2FFFF;
	_ =	strace $0x9FFFFFFF  }
0xc8: {  	(tm) =	ssettm $0x7FFFFFFF  }
0xc9: {  	_ =	shalt  }
tec
execute0_lowered:
.L_overlay_start_1:
0x0: {  	(tag) =	ssettag $0x1  }
0x1: {  	s1 =	rddreg [dreg:$0x0]  }
0x2: {  	s2 =	rddreg [dreg:$0x1]  }
0x3: {  	s5 =	rddreg [dreg:$0x2];
	s3 =	srdreg.scid  }
0x4: {  	s7 =	rddreg [dreg:$0x3];
	s0 =	stileid.u32;
	s24 =	sand.u32 $0x1, s3  }
0x5: {  	s12 =	rddreg [dreg:$0x4];
	s6 =	sshll.u32 s0, $0xA;
	s8 =	sshll.u32 s24, $0x9  }
0x6: {  	s4 =	simm.s32 $0x0;
	s3 =	rddreg [dreg:$0x5];
	s13 =	sor.u32 s8, s6  }
0x7: {  	[smem:$0x7FF] =	sst s4;
	s8 =	sshrl.u32 s13, $0x3  }
0x8: {  	_ =	strace $0x80000047;
	s6 =	simm.s32 $0x5;
	s5 =	sadd.s32 s5, s8  }
0x9: {  	[tilespmem:s4], [sflag:$0x5] =	stream.linear.gather [hbm4b:s5+s4], $0x200, $0x38;
	[tilespmem:$0x10400] =	vst v63  }
0xa: {  	_ =	swait.ge [sflag:s6], $0x200  }
0xb: {  	[sflag:s6] =	ssyncset.done $0x0  }
0xc: {  	s7 =	sadd.s32 s7, s8;
	s8 =	simm.s32 $0x200;
	[sflag:s6] =	ssyncadd.s32 $0xFFFFFE00  }
0xd: {  	[tilespmem:s8], [sflag:$0x5] =	stream.linear.gather [hbm4b:s7+s4], $0x200, $0x38;
	[tilespmem:$0x10400] =	vst v63  }
0xe: {  	_ =	swait.ge [sflag:s6], $0x200  }
0xf: {  	s9 =	simm.s32 $0x100;
	[sflag:s6] =	ssyncset.done $0x0  }
0x10: {  	s10 =	simm.s32 $0x400;
	s11 =	simm.s32 $0x1;
	[sflag:s6] =	ssyncadd.s32 $0xFFFFFE00  }
0x11: {  	[tilespmem:s10], [sflag:$0x1] =	stream.indirect.gather [hbm4b:s1+s9], $0x80, s4, s9, $0xb8;
	[tilespmem:$0x10400] =	vst v63  }
0x12: {  	_ =	swait.ge [sflag:s11], $0x8000  }
0x13: {  	s13 =	sshll.u32 s13, $0x4;
	[sflag:s11] =	ssyncset.done $0x0  }
0x14: {  	s25 =	sadd.s32 s13, s12;
	s12 =	simm.s32 $0x8400;
	[sflag:s11] =	ssyncadd.s32 $0xFFFF8000  }
0x15: {  	[tilespmem:s12], [sflag:$0x2] =	stream.indirect.gather [hbm4b:s1+s9], $0x80, s9, s9, $0xb8;
	[tilespmem:$0x10400] =	vst v63  }
0x16: {  	s14 =	simm.s32 $0x2;
	s13 =	sadd.s32 $0xA00, s25  }
0x17: {  	[hbm4b:s13+s4] =	stream.linear.scatter [tilespmem:s10], [sflag:$0x3], $0x8000, $0x38;
	[tilespmem:$0x10400] =	vst v63  }
0x18: {  	_ =	swait.ge [sflag:s14], $0x8000  }
0x19: {  	[sflag:s14] =	ssyncset.done $0x0  }
0x1a: {  	s15 =	simm.s32 $0x3;
	[sflag:s14] =	ssyncadd.s32 $0xFFFF8000  }
0x1b: {  	_ =	swait.ge [sflag:s15], $0x8000  }
0x1c: {  	[sflag:s15] =	ssyncset.done $0x0  }
0x1d: {  	[sflag:s15] =	ssyncadd.s32 $0xFFFF8000  }
0x1e: {  	[tilespmem:s10], [sflag:$0x1] =	stream.indirect.gather [hbm4b:s1+s9], $0x80, s8, s9, $0xb8;
	[tilespmem:$0x10400] =	vst v63  }
0x1f: {  	s16 =	sadd.s32 $0x1A00, s25  }
0x20: {  	[hbm4b:s16+s4] =	stream.linear.scatter [tilespmem:s12], [sflag:$0x4], $0x8000, $0x38;
	[tilespmem:$0x10400] =	vst v63  }
0x21: {  	_ =	swait.ge [sflag:s11], $0x8000  }
0x22: {  	[sflag:s11] =	ssyncset.done $0x0  }
0x23: {  	s17 =	simm.s32 $0x4;
	[sflag:s11] =	ssyncadd.s32 $0xFFFF8000  }
0x24: {  	_ =	swait.ge [sflag:s17], $0x8000  }
0x25: {  	[sflag:s17] =	ssyncset.done $0x0  }
0x26: {  	s18 =	simm.s32 $0x300;
	[sflag:s17] =	ssyncadd.s32 $0xFFFF8000  }
0x27: {  	[tilespmem:s12], [sflag:$0x2] =	stream.indirect.gather [hbm4b:s1+s9], $0x80, s18, s9, $0xb8;
	[tilespmem:$0x10400] =	vst v63  }
0x28: {  	s19 =	sadd.s32 $0x40A00, s25  }
0x29: {  	[hbm4b:s19+s4] =	stream.linear.scatter [tilespmem:s10], [sflag:$0x3], $0x8000, $0x38;
	[tilespmem:$0x10400] =	vst v63  }
0x2a: {  	_ =	swait.ge [sflag:s14], $0x8000  }
0x2b: {  	[sflag:s14] =	ssyncset.done $0x0  }
0x2c: {  	[sflag:s14] =	ssyncadd.s32 $0xFFFF8000  }
0x2d: {  	_ =	swait.ge [sflag:s15], $0x8000  }
0x2e: {  	[sflag:s15] =	ssyncset.done $0x0  }
0x2f: {  	[sflag:s15] =	ssyncadd.s32 $0xFFFF8000  }
0x30: {  	[tilespmem:s10], [sflag:$0x1] =	stream.indirect.gather [hbm4b:s2+s9], $0x80, s4, s9, $0xb8;
	[tilespmem:$0x10400] =	vst v63  }
0x31: {  	s20 =	sadd.s32 $0x41A00, s25  }
0x32: {  	[hbm4b:s20+s4] =	stream.linear.scatter [tilespmem:s12], [sflag:$0x4], $0x8000, $0x38;
	[tilespmem:$0x10400] =	vst v63  }
0x33: {  	_ =	swait.ge [sflag:s11], $0x8000  }
0x34: {  	[sflag:s11] =	ssyncset.done $0x0  }
0x35: {  	[sflag:s11] =	ssyncadd.s32 $0xFFFF8000  }
0x36: {  	_ =	swait.ge [sflag:s17], $0x8000  }
0x37: {  	[sflag:s17] =	ssyncset.done $0x0  }
0x38: {  	[sflag:s17] =	ssyncadd.s32 $0xFFFF8000  }
0x39: {  	[tilespmem:s12], [sflag:$0x2] =	stream.indirect.gather [hbm4b:s2+s9], $0x80, s9, s9, $0xb8;
	[tilespmem:$0x10400] =	vst v63  }
0x3a: {  	s21 =	sadd.s32 $0x80A00, s25  }
0x3b: {  	[hbm4b:s21+s4] =	stream.linear.scatter [tilespmem:s10], [sflag:$0x3], $0x8000, $0x38;
	[tilespmem:$0x10400] =	vst v63  }
0x3c: {  	_ =	swait.ge [sflag:s14], $0x8000  }
0x3d: {  	[sflag:s14] =	ssyncset.done $0x0  }
0x3e: {  	[sflag:s14] =	ssyncadd.s32 $0xFFFF8000  }
0x3f: {  	_ =	swait.ge [sflag:s15], $0x8000  }
0x40: {  	[sflag:s15] =	ssyncset.done $0x0  }
0x41: {  	[sflag:s15] =	ssyncadd.s32 $0xFFFF8000  }
0x42: {  	[tilespmem:s10], [sflag:$0x1] =	stream.indirect.gather [hbm4b:s2+s9], $0x80, s8, s9, $0xb8;
	[tilespmem:$0x10400] =	vst v63  }
0x43: {  	s22 =	sadd.s32 $0x81A00, s25  }
0x44: {  	[hbm4b:s22+s4] =	stream.linear.scatter [tilespmem:s12], [sflag:$0x4], $0x8000, $0x38;
	[tilespmem:$0x10400] =	vst v63  }
0x45: {  	_ =	swait.ge [sflag:s11], $0x8000  }
0x46: {  	[sflag:s11] =	ssyncset.done $0x0  }
0x47: {  	[sflag:s11] =	ssyncadd.s32 $0xFFFF8000  }
0x48: {  	_ =	swait.ge [sflag:s17], $0x8000  }
0x49: {  	[sflag:s17] =	ssyncset.done $0x0  }
0x4a: {  	s26 =	ssub.s32 $0x2, s24;
	[sflag:s17] =	ssyncadd.s32 $0xFFFF8000  }
0x4b: {  	[tilespmem:s12], [sflag:$0x2] =	stream.indirect.gather [hbm4b:s2+s9], $0x80, s18, s9, $0xb8;
	[tilespmem:$0x10400] =	vst v63  }
0x4c: {  	s31 =	sshrl.u32 s26, $0x1;
	s23 =	sadd.s32 $0xC0A00, s25  }
0x4d: {  	[hbm4b:s23+s4] =	stream.linear.scatter [tilespmem:s10], [sflag:$0x3], $0x8000, $0x38;
	[tilespmem:$0x10400] =	vst v63  }
0x4e: {  	s24 =	sadd.s32 $0xC1A00, s25;
	s25 =	ssub.s32 s26, s31;
	_ =	swait.ge [sflag:s14], $0x8000  }
0x4f: {  	s25 =	smax.u32 s25, $0x1;
	[sflag:s14] =	ssyncset.done $0x0  }
0x50: {  	p0 =	sne.s32 s25, $0x1;
	[sflag:s14] =	ssyncadd.s32 $0xFFFF8000  }
0x51: {  	[hbm4b:s24+s4] =	stream.linear.scatter [tilespmem:s12], [sflag:$0x4], $0x8000, $0x38;
	[tilespmem:$0x10400] =	vst v63  }
.Ltmp0:
0x52: {  	_ =	swait.ge [sflag:s15], $0x8000;
	(pc) =	sbr.rel @!p0 .LBB2_2-.Ltmp0, $4  }
0x53: {  	[sflag:s15] =	ssyncset.done $0x0  }
0x54: {  	[sflag:s15] =	ssyncadd.s32 $0xFFFF8000  }
0x55: {  	_ =	swait.ge [sflag:s17], $0x8000  }
0x56: {  	s25 =	sadd.s32 $0xFFFFFFFF, s25;
	[sflag:s17] =	ssyncset.done $0x0  }
.LBB2_1:
0x57: {  	p0 =	sne.s32 s25, $0x1;
	s25 =	sadd.s32 $0xFFFFFFFF, s25;
	[sflag:s17] =	ssyncadd.s32 $0xFFFF8000  }
0x58: {  	[tilespmem:s4], [sflag:$0x5] =	stream.linear.gather [hbm4b:s5+s4], $0x200, $0x38;
	[tilespmem:$0x10400] =	vst v63  }
0x59: {  	_ =	swait.ge [sflag:s6], $0x200  }
0x5a: {  	[sflag:s6] =	ssyncset.done $0x0  }
0x5b: {  	[sflag:s6] =	ssyncadd.s32 $0xFFFFFE00  }
0x5c: {  	[tilespmem:s8], [sflag:$0x5] =	stream.linear.gather [hbm4b:s7+s4], $0x200, $0x38;
	[tilespmem:$0x10400] =	vst v63  }
0x5d: {  	_ =	swait.ge [sflag:s6], $0x200  }
0x5e: {  	[sflag:s6] =	ssyncset.done $0x0  }
0x5f: {  	[sflag:s6] =	ssyncadd.s32 $0xFFFFFE00  }
0x60: {  	[tilespmem:s10], [sflag:$0x1] =	stream.indirect.gather [hbm4b:s1+s9], $0x80, s4, s9, $0xb8;
	[tilespmem:$0x10400] =	vst v63  }
0x61: {  	_ =	swait.ge [sflag:s11], $0x8000  }
0x62: {  	[sflag:s11] =	ssyncset.done $0x0  }
0x63: {  	[sflag:s11] =	ssyncadd.s32 $0xFFFF8000  }
0x64: {  	[tilespmem:s12], [sflag:$0x2] =	stream.indirect.gather [hbm4b:s1+s9], $0x80, s9, s9, $0xb8;
	[tilespmem:$0x10400] =	vst v63  }
0x65: {  	_ = 	snop  }
0x66: {  	[hbm4b:s13+s4] =	stream.linear.scatter [tilespmem:s10], [sflag:$0x3], $0x8000, $0x38;
	[tilespmem:$0x10400] =	vst v63  }
0x67: {  	_ =	swait.ge [sflag:s14], $0x8000  }
0x68: {  	[sflag:s14] =	ssyncset.done $0x0  }
0x69: {  	[sflag:s14] =	ssyncadd.s32 $0xFFFF8000  }
0x6a: {  	_ =	swait.ge [sflag:s15], $0x8000  }
0x6b: {  	[sflag:s15] =	ssyncset.done $0x0  }
0x6c: {  	[sflag:s15] =	ssyncadd.s32 $0xFFFF8000  }
0x6d: {  	[tilespmem:s10], [sflag:$0x1] =	stream.indirect.gather [hbm4b:s1+s9], $0x80, s8, s9, $0xb8;
	[tilespmem:$0x10400] =	vst v63  }
0x6e: {  	_ = 	snop  }
0x6f: {  	[hbm4b:s16+s4] =	stream.linear.scatter [tilespmem:s12], [sflag:$0x4], $0x8000, $0x38;
	[tilespmem:$0x10400] =	vst v63  }
0x70: {  	_ =	swait.ge [sflag:s11], $0x8000  }
0x71: {  	[sflag:s11] =	ssyncset.done $0x0  }
0x72: {  	[sflag:s11] =	ssyncadd.s32 $0xFFFF8000  }
0x73: {  	_ =	swait.ge [sflag:s17], $0x8000  }
0x74: {  	[sflag:s17] =	ssyncset.done $0x0  }
0x75: {  	[sflag:s17] =	ssyncadd.s32 $0xFFFF8000  }
0x76: {  	[tilespmem:s12], [sflag:$0x2] =	stream.indirect.gather [hbm4b:s1+s9], $0x80, s18, s9, $0xb8;
	[tilespmem:$0x10400] =	vst v63  }
0x77: {  	_ = 	snop  }
0x78: {  	[hbm4b:s19+s4] =	stream.linear.scatter [tilespmem:s10], [sflag:$0x3], $0x8000, $0x38;
	[tilespmem:$0x10400] =	vst v63  }
0x79: {  	_ =	swait.ge [sflag:s14], $0x8000  }
0x7a: {  	[sflag:s14] =	ssyncset.done $0x0  }
0x7b: {  	[sflag:s14] =	ssyncadd.s32 $0xFFFF8000  }
0x7c: {  	_ =	swait.ge [sflag:s15], $0x8000  }
0x7d: {  	[sflag:s15] =	ssyncset.done $0x0  }
0x7e: {  	[sflag:s15] =	ssyncadd.s32 $0xFFFF8000  }
0x7f: {  	[tilespmem:s10], [sflag:$0x1] =	stream.indirect.gather [hbm4b:s2+s9], $0x80, s4, s9, $0xb8;
	[tilespmem:$0x10400] =	vst v63  }
0x80: {  	_ = 	snop  }
0x81: {  	[hbm4b:s20+s4] =	stream.linear.scatter [tilespmem:s12], [sflag:$0x4], $0x8000, $0x38;
	[tilespmem:$0x10400] =	vst v63  }
0x82: {  	_ =	swait.ge [sflag:s11], $0x8000  }
0x83: {  	[sflag:s11] =	ssyncset.done $0x0  }
0x84: {  	[sflag:s11] =	ssyncadd.s32 $0xFFFF8000  }
0x85: {  	_ =	swait.ge [sflag:s17], $0x8000  }
0x86: {  	[sflag:s17] =	ssyncset.done $0x0  }
0x87: {  	[sflag:s17] =	ssyncadd.s32 $0xFFFF8000  }
0x88: {  	[tilespmem:s12], [sflag:$0x2] =	stream.indirect.gather [hbm4b:s2+s9], $0x80, s9, s9, $0xb8;
	[tilespmem:$0x10400] =	vst v63  }
0x89: {  	_ = 	snop  }
0x8a: {  	[hbm4b:s21+s4] =	stream.linear.scatter [tilespmem:s10], [sflag:$0x3], $0x8000, $0x38;
	[tilespmem:$0x10400] =	vst v63  }
0x8b: {  	_ =	swait.ge [sflag:s14], $0x8000  }
0x8c: {  	[sflag:s14] =	ssyncset.done $0x0  }
0x8d: {  	[sflag:s14] =	ssyncadd.s32 $0xFFFF8000  }
0x8e: {  	_ =	swait.ge [sflag:s15], $0x8000  }
0x8f: {  	[sflag:s15] =	ssyncset.done $0x0  }
0x90: {  	[sflag:s15] =	ssyncadd.s32 $0xFFFF8000  }
0x91: {  	[tilespmem:s10], [sflag:$0x1] =	stream.indirect.gather [hbm4b:s2+s9], $0x80, s8, s9, $0xb8;
	[tilespmem:$0x10400] =	vst v63  }
0x92: {  	_ = 	snop  }
0x93: {  	[hbm4b:s22+s4] =	stream.linear.scatter [tilespmem:s12], [sflag:$0x4], $0x8000, $0x38;
	[tilespmem:$0x10400] =	vst v63  }
0x94: {  	_ =	swait.ge [sflag:s11], $0x8000  }
0x95: {  	[sflag:s11] =	ssyncset.done $0x0  }
0x96: {  	[sflag:s11] =	ssyncadd.s32 $0xFFFF8000  }
0x97: {  	_ =	swait.ge [sflag:s17], $0x8000  }
0x98: {  	[sflag:s17] =	ssyncset.done $0x0  }
0x99: {  	[sflag:s17] =	ssyncadd.s32 $0xFFFF8000  }
0x9a: {  	[tilespmem:s12], [sflag:$0x2] =	stream.indirect.gather [hbm4b:s2+s9], $0x80, s18, s9, $0xb8;
	[tilespmem:$0x10400] =	vst v63  }
0x9b: {  	_ = 	snop  }
0x9c: {  	[hbm4b:s23+s4] =	stream.linear.scatter [tilespmem:s10], [sflag:$0x3], $0x8000, $0x38;
	[tilespmem:$0x10400] =	vst v63  }
0x9d: {  	_ =	swait.ge [sflag:s14], $0x8000  }
0x9e: {  	[sflag:s14] =	ssyncset.done $0x0  }
0x9f: {  	[sflag:s14] =	ssyncadd.s32 $0xFFFF8000  }
0xa0: {  	[hbm4b:s24+s4] =	stream.linear.scatter [tilespmem:s12], [sflag:$0x4], $0x8000, $0x38;
	[tilespmem:$0x10400] =	vst v63  }
.Ltmp1:
0xa1: {  	_ =	swait.ge [sflag:s15], $0x8000;
	(pc) =	sbr.rel @p0 .LBB2_1-.Ltmp1, $4  }
0xa2: {  	[sflag:s15] =	ssyncset.done $0x0  }
0xa3: {  	[sflag:s15] =	ssyncadd.s32 $0xFFFF8000  }
0xa4: {  	_ =	swait.ge [sflag:s17], $0x8000  }
0xa5: {  	[sflag:s17] =	ssyncset.done $0x0  }
.LBB2_2:
0xa6: {  	[sflag:s17] =	ssyncadd.s32 $0xFFFF8000  }
0xa7: {  	_ =	sfence.sel $0x180000  }
0xa8: {  	[bflag:$0x0] =	sbarrier.arrive $0xFFFF  }
0xa9: {  	p0 =	sne.s32 s0, $0x0;
	_ =	strace $0x90000047  }
0xaa: {  	s0 =	sadd.s32 @!p0 $0x100000, s3;
	[bflag:$0x2] =	sbarrier.arrive $0xFFFF  }
0xab: {  	[sflag:s0] =	ssyncadd.tile.s32 @!p0 $0x1;
	_ =	shalt  }
.Lfunc_end2:
_tile_overlayer_lowered:
.L_overlay_start_2:
0xac: {  	(tag) =	ssettag $0x2  }
0xad: {  	s0 =	rddreg [dreg:$0x0];
	s2 =	stileid.u32  }
0xae: {  	s1 =	rddreg [dreg:$0x1];
	p0 =	sne.s32 s2, $0x0  }
0xaf: {  	s3 =	rddreg [dreg:$0x2];
	[bflag:$0x3] =	sbarrier.arrive $0xFFFF;
	s2 =	simm.s32 @!p0 $0x1C05  }
0xb0: {  	[timem:s3], [sflag:s2] =	dma.local @!p0 [hbm:s0], s1  }
0xb1: {  	s0 =	simm.s32 @!p0 $0x5  }
0xb2: {  	_ =	swait.ge @!p0 [sflag:s0], s1  }
0xb3: {  	s1 =	ssub.s32 @!p0 $0x0, s1;
	[sflag:s0] =	ssyncset.done @!p0 $0x0  }
0xb4: {  	[sflag:s0] =	ssyncadd.s32 @!p0 s1  }
0xb5: {  	[bflag:$0x3] =	sbarrier.arrive $0xFFFF  }
0xb6: {  	_ =	shalt  }

</sc_bundles>
